<compile_context>
chip_gen: v7x
topology: tpu7x:2x2x1
jax: 0.10.2.dev20260603
libtpu: 0.0.44.dev20260713+nightly
codegen_flags: <defaults>
</compile_context>

<pallas_src>
import dataclasses

import jax
import jax.numpy as jnp
from jax import lax
from jax.experimental import pallas as pl
from jax.experimental.pallas import tpu as pltpu
from jax.experimental.pallas import tpu_sc as plsc

N = 10000
D = 128
E = 320000
NC = 2
NS = 16
NW = NC * NS
CH = 128
NODE_CH = 3
N_PAD = NW * NODE_CH * CH
EC = 80
EPH = 2
EC_PH = EC // EPH
E_PAD = NW * EC * CH
TRASH = N
DEG_STRIPE = N_PAD // NS
ACC_STRIPE = 640
ACC_ROWS = NS * ACC_STRIPE
LN_EPS = 1e-12

_mesh = plsc.VectorSubcoreMesh(core_axis_name="c", subcore_axis_name="s")

_cp = pltpu.CompilerParams()
if "needs_layout_passes" in pltpu.CompilerParams.__dataclass_fields__:
    _cp = dataclasses.replace(_cp, needs_layout_passes=False)


def _k1_body(syn_emb, pos_emb, sen_emb, lem_emb, idx_all, dst_i,
             zdeg_hbm, iota_hbm,
             emb_out, deg_out,
             idx_v, dstv, hist_v, iota_v, deg_sp):
    cid = lax.axis_index("c")
    sid = lax.axis_index("s")
    wid = cid * NS + sid

    @pl.when(sid < 12)
    def _():
        pltpu.sync_copy(zdeg_hbm, deg_sp.at[pl.ds(sid * 8, 8)])

    pltpu.sync_copy(dst_i.at[wid], dstv)
    pltpu.sync_copy(iota_hbm, iota_v)

    @pl.loop(0, N_PAD // CH)
    def _(i):
        for j in range(8):
            hist_v[i, pl.ds(j * 16, 16)] = jnp.zeros((16,), jnp.float32)

    ones16 = jnp.full((16,), 1.0, jnp.float32)

    @pl.loop(0, EC)
    def _(ch):
        for j in range(8):
            idx = dstv[ch, pl.ds(j * 16, 16)]
            r = lax.shift_right_logical(idx, 7)
            c = lax.bitwise_and(idx, 127)
            plsc.addupdate_scatter(hist_v, [r, c], ones16)

    plsc.subcore_barrier()
    pltpu.sync_copy(hist_v, deg_sp.at[iota_v.at[0]], add=True)

    pltpu.sync_copy(idx_all.at[wid], idx_v)
    tables = (syn_emb, pos_emb, sen_emb, lem_emb)

    def _emb(rows):
        for t in range(4):
            for c in range(NODE_CH):
                pltpu.sync_copy(tables[t].at[idx_v.at[t * NODE_CH + c]], rows)
                pltpu.sync_copy(
                    rows,
                    emb_out.at[t, pl.ds(wid * NODE_CH * CH + c * CH, CH)])

    pl.run_scoped(_emb, pltpu.VMEM((CH, D), jnp.float32))

    plsc.subcore_barrier()

    @pl.when(sid < 12)
    def _():
        pltpu.sync_copy(deg_sp.at[pl.ds(sid * 8, 8)],
                        deg_out.at[cid, pl.ds(sid * 8, 8)])


def _k3_body(hw2, src_i, dst_i,
             parts_out,
             srcv, dstv, acc_sp):
    cid = lax.axis_index("c")
    sid = lax.axis_index("s")
    wid = cid * NS + sid

    def _main(rows):
        @pl.loop(0, CH)
        def _(i):
            for j in range(8):
                rows[i, pl.ds(j * 16, 16)] = jnp.zeros((16,), jnp.float32)

        @pl.when(cid == 0)
        def _():
            pltpu.sync_copy(hw2.at[pl.ds(sid * ACC_STRIPE, ACC_STRIPE)],
                            acc_sp.at[pl.ds(sid * ACC_STRIPE, ACC_STRIPE)])

        @pl.when(cid != 0)
        def _():
            for k in range(ACC_STRIPE // CH):
                pltpu.sync_copy(
                    rows, acc_sp.at[pl.ds(sid * ACC_STRIPE + k * CH, CH)])

        plsc.subcore_barrier()

        for ph in range(EPH):
            pltpu.sync_copy(src_i.at[wid, pl.ds(ph * EC_PH, EC_PH)], srcv)
            pltpu.sync_copy(dst_i.at[wid, pl.ds(ph * EC_PH, EC_PH)], dstv)

            @pl.loop(0, EC_PH)
            def _(ch):
                pltpu.sync_copy(hw2.at[srcv.at[ch]], rows)
                pltpu.sync_copy(rows, acc_sp.at[dstv.at[ch]], add=True)

        plsc.subcore_barrier()
        pltpu.sync_copy(acc_sp.at[pl.ds(sid * ACC_STRIPE, ACC_STRIPE)],
                        parts_out.at[cid, pl.ds(sid * ACC_STRIPE, ACC_STRIPE)])

    pl.run_scoped(_main, pltpu.VMEM((CH, D), jnp.float32))


_k1 = pl.kernel(
    _k1_body,
    out_type=[jax.ShapeDtypeStruct((4, N_PAD, D), jnp.float32),
              jax.ShapeDtypeStruct((NC, N_PAD // CH, CH), jnp.float32)],
    mesh=_mesh,
    scratch_types=[
        pltpu.VMEM((4 * NODE_CH, CH), jnp.int32),
        pltpu.VMEM((EC, CH), jnp.int32),
        pltpu.VMEM((N_PAD // CH, CH), jnp.float32),
        pltpu.VMEM((1, N_PAD // CH), jnp.int32),
        pltpu.VMEM_SHARED((N_PAD // CH, CH), jnp.float32),
    ],
    compiler_params=_cp,
)

_k3 = pl.kernel(
    _k3_body,
    out_type=jax.ShapeDtypeStruct((NC, ACC_ROWS, D), jnp.float32),
    mesh=_mesh,
    scratch_types=[
        pltpu.VMEM((EC_PH, CH), jnp.int32),
        pltpu.VMEM((EC_PH, CH), jnp.int32),
        pltpu.VMEM_SHARED((ACC_ROWS, D), jnp.float32),
    ],
)


_RB = 512


def _k2_body(emb_ref, dc_ref, g_ref, bt_ref, w_ref, hw2_ref, dinv_ref):
    h = ((emb_ref[0] + emb_ref[3]) + emb_ref[1]) + emb_ref[2]
    mu = jnp.mean(h, axis=-1, keepdims=True)
    xc = h - mu
    var = jnp.mean(xc * xc, axis=-1, keepdims=True)
    hn = xc * lax.rsqrt(var + LN_EPS) * g_ref[0] + bt_ref[0]
    deg = (dc_ref[0] + dc_ref[1]) + 1.0
    dinv = lax.rsqrt(deg)
    hw = jnp.dot(hn, w_ref[...], preferred_element_type=jnp.float32,
                 precision=lax.Precision.HIGHEST)
    hw2_ref[...] = hw * dinv
    dinv_ref[...] = dinv


_RB4 = 400


def _k4_body(parts_ref, dinv_ref, b_ref, out_ref):
    s = parts_ref[0] + parts_ref[1]
    out_ref[...] = jnp.maximum(s * dinv_ref[...] + b_ref[0], 0.0)


def kernel(x, adjs, epoch, syn_emb, pos_emb, sen_emb, lem_emb,
           ln_gamma, ln_beta, W, b):
    x = x.astype(jnp.int32)
    adjs = adjs.astype(jnp.int32)
    idx_cols = [jnp.pad(x[:, k], (0, N_PAD - N)) for k in range(4)]
    idx_all = jnp.stack(idx_cols, axis=0).reshape(4, NW, NODE_CH, CH)
    idx_all = jnp.transpose(idx_all, (1, 0, 2, 3)).reshape(NW, 4 * NODE_CH, CH)
    src_p = jnp.pad(adjs[0], (0, E_PAD - E)).reshape(NW, EC, CH)
    dst_p = jnp.pad(adjs[1], (0, E_PAD - E),
                    constant_values=TRASH).reshape(NW, EC, CH)
    zeros_deg = jnp.zeros((8, CH), jnp.float32)
    iota96 = jnp.arange(N_PAD // CH, dtype=jnp.int32).reshape(1, N_PAD // CH)
    g2 = ln_gamma.reshape(1, D)
    bt2 = ln_beta.reshape(1, D)
    b2 = b.reshape(1, D)

    emb, degcnt = _k1(syn_emb, pos_emb, sen_emb, lem_emb, idx_all, dst_p,
                      zeros_deg, iota96)
    degcnt = degcnt.reshape(NC, N_PAD, 1)

    hw2, dinv = pl.pallas_call(
        _k2_body,
        grid=(N_PAD // _RB,),
        in_specs=[
            pl.BlockSpec((4, _RB, D), lambda i: (0, i, 0)),
            pl.BlockSpec((NC, _RB, 1), lambda i: (0, i, 0)),
            pl.BlockSpec((1, D), lambda i: (0, 0)),
            pl.BlockSpec((1, D), lambda i: (0, 0)),
            pl.BlockSpec((D, D), lambda i: (0, 0)),
        ],
        out_specs=[pl.BlockSpec((_RB, D), lambda i: (i, 0)),
                   pl.BlockSpec((_RB, 1), lambda i: (i, 0))],
        out_shape=[jax.ShapeDtypeStruct((N_PAD, D), jnp.float32),
                   jax.ShapeDtypeStruct((N_PAD, 1), jnp.float32)],
    )(emb, degcnt, g2, bt2, W)

    parts = _k3(hw2, src_p, dst_p)

    out = pl.pallas_call(
        _k4_body,
        grid=(N // _RB4,),
        in_specs=[
            pl.BlockSpec((NC, _RB4, D), lambda i: (0, i, 0)),
            pl.BlockSpec((_RB4, 1), lambda i: (i, 0)),
            pl.BlockSpec((1, D), lambda i: (0, 0)),
        ],
        out_specs=pl.BlockSpec((_RB4, D), lambda i: (i, 0)),
        out_shape=jax.ShapeDtypeStruct((N, D), jnp.float32),
    )(parts, dinv, b2)
    return out

# --- scband reference (transcript-rebuilt; emitter-appended) ---
"""Pipeline reference for scband-wordnet-dgn-9612136808449 (READ-ONLY COPY).

The authoritative reference and input builder live on the scoring server;
editing this copy changes nothing except your own understanding.
"""

import jax, jax.numpy as jnp
import numpy as np

N = 10000
E = 320000
D = 128
OUT = 128
SYN = 117659
LEM = 206978
POS = 5
SEN = 207016
LN_EPS = 1e-12


def setup_inputs(seed: int = 0) -> dict:
    key = jax.random.key(seed)
    ks = jax.random.split(key, 12)
    # node feature id tensor: columns are (synset_id, pos_id, sense_id, lemma_id)
    syn_ids = jax.random.randint(ks[0], (N,), 0, SYN, dtype=jnp.int64 if jax.config.jax_enable_x64 else jnp.int32)
    pos_ids = jax.random.randint(ks[1], (N,), 0, POS)
    sen_ids = jax.random.randint(ks[2], (N,), 0, SEN)
    lem_ids = jax.random.randint(ks[3], (N,), 0, LEM)
    x = jnp.stack([syn_ids.astype(jnp.int32), pos_ids.astype(jnp.int32), sen_ids.astype(jnp.int32), lem_ids.astype(jnp.int32)], axis=1)
    adjs = jax.random.randint(ks[4], (2, E), 0, N, dtype=jnp.int32)
    # learned parameters
    syn_emb = jax.random.normal(ks[5], (SYN, D), dtype=jnp.float32) * 0.02
    pos_emb = jax.random.normal(ks[6], (POS, D), dtype=jnp.float32) * 0.02
    sen_emb = jax.random.normal(ks[7], (SEN, D), dtype=jnp.float32) * 0.02
    lem_emb = jax.random.normal(ks[8], (LEM, D), dtype=jnp.float32) * 0.02
    ln_gamma = jnp.ones((D,), dtype=jnp.float32)
    ln_beta = jnp.zeros((D,), dtype=jnp.float32)
    W = jax.random.normal(ks[9], (D, OUT), dtype=jnp.float32) * (1.0 / np.sqrt(D))
    b = jnp.zeros((OUT,), dtype=jnp.float32)
    return {"x": x, "adjs": adjs, "epoch": 0, "syn_emb": syn_emb, "pos_emb": pos_emb, "sen_emb": sen_emb, "lem_emb": lem_emb, "ln_gamma": ln_gamma, "ln_beta": ln_beta, "W": W, "b": b}


def _layer_norm(h, gamma, beta):
    mu = jnp.mean(h, axis=-1, keepdims=True)
    var = jnp.mean((h - mu) ** 2, axis=-1, keepdims=True)
    return (h - mu) / jnp.sqrt(var + LN_EPS) * gamma + beta


def reference(x, adjs, epoch, syn_emb, pos_emb, sen_emb, lem_emb, ln_gamma, ln_beta, W, b):
    # --- WordnetEmbeddings ---
    synset_embeds = jnp.take(syn_emb, x[:, 0], axis=0)
    pos_embeds = jnp.take(pos_emb, x[:, 1], axis=0)
    sense_embeds = jnp.take(sen_emb, x[:, 2], axis=0)
    lemma_embeds = jnp.take(lem_emb, x[:, 3], axis=0)
    h = synset_embeds + lemma_embeds + pos_embeds + sense_embeds
    h = _layer_norm(h, ln_gamma, ln_beta)
    # dropout: identity at inference
    # --- ConvDGN (single GCNConv, d->out) ---
    hw = h @ W  # linear (bias applied after aggregation, as in PyG GCNConv)
    # add self loops
    loop = jnp.arange(N, dtype=adjs.dtype)
    src = jnp.concatenate([adjs[0], loop])
    dst = jnp.concatenate([adjs[1], loop])
    # symmetric normalization D^{-1/2} (A+I) D^{-1/2}
    deg = jax.ops.segment_sum(jnp.ones_like(dst, dtype=jnp.float32), dst, num_segments=N)
    deg_inv_sqrt = jnp.where(deg > 0, jax.lax.rsqrt(jnp.maximum(deg, 1e-12)), 0.0)
    norm = deg_inv_sqrt[src] * deg_inv_sqrt[dst]
    msgs = norm[:, None] * jnp.take(hw, src, axis=0)
    out = jax.ops.segment_sum(msgs, dst, num_segments=N) + b
    return jax.nn.relu(out)

if __name__ == "__main__":
    import jax
    _d = setup_inputs()
    print(jax.jit(kernel)(*tuple(_d.values())))

</pallas_src>

<mosaic_0001>
#map = affine_map<(d0, d1) -> (0, 0)>
#map1 = affine_map<(d0, d1) -> (0, 0, 0)>
module attributes {stable_mosaic.version = 14 : i64} {
  func.func @_k1_body(%arg0: i32, %arg1: i32, %arg2: memref<117659x128xf32, #tpu.memory_space<hbm>>, %arg3: memref<5x128xf32, #tpu.memory_space<hbm>>, %arg4: memref<207016x128xf32, #tpu.memory_space<hbm>>, %arg5: memref<206978x128xf32, #tpu.memory_space<hbm>>, %arg6: memref<32x12x128xi32, #tpu.memory_space<hbm>>, %arg7: memref<32x80x128xi32, #tpu.memory_space<hbm>>, %arg8: memref<8x128xf32, #tpu.memory_space<hbm>>, %arg9: memref<1x96xi32, #tpu.memory_space<hbm>>, %arg10: memref<4x12288x128xf32, #tpu.memory_space<hbm>>, %arg11: memref<2x96x128xf32, #tpu.memory_space<hbm>>, %arg12: memref<12x128xi32, #tpu.memory_space<vmem>>, %arg13: memref<80x128xi32, #tpu.memory_space<vmem>>, %arg14: memref<96x128xf32, #tpu.memory_space<vmem>>, %arg15: memref<1x96xi32, #tpu.memory_space<vmem>>, %arg16: memref<96x128xf32, #tpu.memory_space<vmem_shared>>) attributes {dimension_semantics = [#tpu.dimension_semantics<core_parallel>, #tpu.dimension_semantics<subcore_parallel>], iteration_bounds = array<i64: 2, 16>, scalar_prefetch = 0 : i64, scratch_operands = 5 : i64, tpu.core_type = #tpu.core_type<sc_vector_subcore>, window_params = [{transform_indices = #map}, {transform_indices = #map}, {transform_indices = #map}, {transform_indices = #map}, {transform_indices = #map1}, {transform_indices = #map1}, {transform_indices = #map}, {transform_indices = #map}, {transform_indices = #map1}, {transform_indices = #map1}]} {
    %mul3A = arith.constant 16 : i32
    %mul3A_0 = arith.muli %arg0, %mul3A : i32
    %add3A = arith.addi %mul3A_0, %arg1 : i32
    %lt3A = arith.constant 12 : i32
    %lt3A_1 = arith.cmpi slt, %arg1, %lt3A : i32
    %convert_element_type3A = arith.extui %lt3A_1 : i1 to i32
    %cond3A = arith.constant 0 : i32
    %cond3A_2 = arith.cmpi ne, %convert_element_type3A, %cond3A : i32
    scf.if %cond3A_2 {
      %mul3A_19 = arith.constant 8 : i32
      %mul3A_20 = arith.muli %arg1, %mul3A_19 : i32
      "tpu.region"() ({
        %run_scoped3A_21 = tpu.sem_alloc : memref<!tpu.dma_semaphore, #tpu.memory_space<semaphore_mem>>
        %dma_start3A = arith.constant 0 : i32
        %dma_start3A_22 = tpu.memref_slice %arg16[%mul3A_20, %dma_start3A] : memref<96x128xf32, #tpu.memory_space<vmem_shared>> -> memref<8x128xf32, #tpu.memory_space<vmem_shared>>
        tpu.enqueue_dma source(%arg8 : memref<8x128xf32, #tpu.memory_space<hbm>>) target(%dma_start3A_22 : memref<8x128xf32, #tpu.memory_space<vmem_shared>>) target_semaphore(%run_scoped3A_21 : memref<!tpu.dma_semaphore, #tpu.memory_space<semaphore_mem>>)
        %dma_wait3A = arith.constant 0 : i32
        %dma_wait3A_23 = tpu.memref_slice %arg16[%mul3A_20, %dma_wait3A] : memref<96x128xf32, #tpu.memory_space<vmem_shared>> -> memref<8x128xf32, #tpu.memory_space<vmem_shared>>
        tpu.wait_dma2 semaphore(%run_scoped3A_21 : memref<!tpu.dma_semaphore, #tpu.memory_space<semaphore_mem>>) src(%arg8 : memref<8x128xf32, #tpu.memory_space<hbm>>) dst(%dma_wait3A_23 : memref<8x128xf32, #tpu.memory_space<vmem_shared>>)
        tpu.yield
      }) : () -> ()
    } else {
    }
    "tpu.region"() ({
      %run_scoped3A_19 = tpu.sem_alloc : memref<!tpu.dma_semaphore, #tpu.memory_space<semaphore_mem>>
      %dma_start3A = arith.constant 0 : i32
      %dma_start3A_20 = arith.constant 0 : i32
      %dma_start3A_21 = tpu.memref_slice %arg7[%add3A, %dma_start3A, %dma_start3A_20] : memref<32x80x128xi32, #tpu.memory_space<hbm>> -> memref<1x80x128xi32, #tpu.memory_space<hbm>>
      %dma_start3A_22 = tpu.memref_squeeze %dma_start3A_21 : memref<1x80x128xi32, #tpu.memory_space<hbm>> -> memref<80x128xi32, #tpu.memory_space<hbm>>
      %dma_start3A_23 = arith.constant 0 : i32
      %dma_start3A_24 = arith.constant 0 : i32
      %dma_start3A_25 = tpu.memref_slice %arg7[%add3A, %dma_start3A_23, %dma_start3A_24] : memref<32x80x128xi32, #tpu.memory_space<hbm>> -> memref<1x80x128xi32, #tpu.memory_space<hbm>>
      %dma_start3A_26 = tpu.memref_squeeze %dma_start3A_25 : memref<1x80x128xi32, #tpu.memory_space<hbm>> -> memref<80x128xi32, #tpu.memory_space<hbm>>
      tpu.enqueue_dma source(%dma_start3A_26 : memref<80x128xi32, #tpu.memory_space<hbm>>) target(%arg13 : memref<80x128xi32, #tpu.memory_space<vmem>>) target_semaphore(%run_scoped3A_19 : memref<!tpu.dma_semaphore, #tpu.memory_space<semaphore_mem>>)
      %dma_wait3A = arith.constant 0 : i32
      %dma_wait3A_27 = arith.constant 0 : i32
      %dma_wait3A_28 = tpu.memref_slice %arg7[%add3A, %dma_wait3A, %dma_wait3A_27] : memref<32x80x128xi32, #tpu.memory_space<hbm>> -> memref<1x80x128xi32, #tpu.memory_space<hbm>>
      %dma_wait3A_29 = tpu.memref_squeeze %dma_wait3A_28 : memref<1x80x128xi32, #tpu.memory_space<hbm>> -> memref<80x128xi32, #tpu.memory_space<hbm>>
      %dma_wait3A_30 = arith.constant 0 : i32
      %dma_wait3A_31 = arith.constant 0 : i32
      %dma_wait3A_32 = tpu.memref_slice %arg7[%add3A, %dma_wait3A_30, %dma_wait3A_31] : memref<32x80x128xi32, #tpu.memory_space<hbm>> -> memref<1x80x128xi32, #tpu.memory_space<hbm>>
      %dma_wait3A_33 = tpu.memref_squeeze %dma_wait3A_32 : memref<1x80x128xi32, #tpu.memory_space<hbm>> -> memref<80x128xi32, #tpu.memory_space<hbm>>
      tpu.wait_dma2 semaphore(%run_scoped3A_19 : memref<!tpu.dma_semaphore, #tpu.memory_space<semaphore_mem>>) src(%dma_wait3A_33 : memref<80x128xi32, #tpu.memory_space<hbm>>) dst(%arg13 : memref<80x128xi32, #tpu.memory_space<vmem>>)
      tpu.yield
    }) : () -> ()
    "tpu.region"() ({
      %run_scoped3A_19 = tpu.sem_alloc : memref<!tpu.dma_semaphore, #tpu.memory_space<semaphore_mem>>
      tpu.enqueue_dma source(%arg9 : memref<1x96xi32, #tpu.memory_space<hbm>>) target(%arg15 : memref<1x96xi32, #tpu.memory_space<vmem>>) target_semaphore(%run_scoped3A_19 : memref<!tpu.dma_semaphore, #tpu.memory_space<semaphore_mem>>)
      tpu.wait_dma2 semaphore(%run_scoped3A_19 : memref<!tpu.dma_semaphore, #tpu.memory_space<semaphore_mem>>) src(%arg9 : memref<1x96xi32, #tpu.memory_space<hbm>>) dst(%arg15 : memref<1x96xi32, #tpu.memory_space<vmem>>)
      tpu.yield
    }) : () -> ()
    %scan3A = arith.constant 0 : i32
    %scan3A_3 = arith.constant 96 : i32
    %scan3A_4 = arith.addi %scan3A, %scan3A_3 : i32
    %scan3A_5 = arith.constant 1 : i32
    scf.for %scan3A_19 = %scan3A to %scan3A_4 step %scan3A_5  : i32 {
      %mul3A_20 = arith.constant 1 : i32
      %mul3A_21 = arith.muli %scan3A_19, %mul3A_20 : i32
      %add3A_22 = arith.constant 0 : i32
      %add3A_23 = arith.addi %add3A_22, %mul3A_21 : i32
      %broadcast_in_dim3A_24 = arith.constant 0.000000e+00 : f32
      %broadcast_in_dim3A_25 = vector.broadcast %broadcast_in_dim3A_24 : f32 to vector<16xf32>
      %swap3A = arith.index_cast %add3A_23 : i32 to index
      %swap3A_26 = arith.constant 0 : index
      %swap3A_27 = tpu.vector_load %arg14[%swap3A, %swap3A_26] {strides = array<i32>} : memref<96x128xf32, #tpu.memory_space<vmem>>, vector<16xf32>,
      tpu.vector_store %arg14[%swap3A, %swap3A_26], %broadcast_in_dim3A_25 {strides = array<i32>} : memref<96x128xf32, #tpu.memory_space<vmem>>, vector<16xf32>,
      %broadcast_in_dim3A_28 = arith.constant 0.000000e+00 : f32
      %broadcast_in_dim3A_29 = vector.broadcast %broadcast_in_dim3A_28 : f32 to vector<16xf32>
      %swap3A_30 = arith.index_cast %add3A_23 : i32 to index
      %swap3A_31 = arith.constant 16 : index
      %swap3A_32 = tpu.vector_load %arg14[%swap3A_30, %swap3A_31] {strides = array<i32>} : memref<96x128xf32, #tpu.memory_space<vmem>>, vector<16xf32>,
      tpu.vector_store %arg14[%swap3A_30, %swap3A_31], %broadcast_in_dim3A_29 {strides = array<i32>} : memref<96x128xf32, #tpu.memory_space<vmem>>, vector<16xf32>,
      %broadcast_in_dim3A_33 = arith.constant 0.000000e+00 : f32
      %broadcast_in_dim3A_34 = vector.broadcast %broadcast_in_dim3A_33 : f32 to vector<16xf32>
      %swap3A_35 = arith.index_cast %add3A_23 : i32 to index
      %swap3A_36 = arith.constant 32 : index
      %swap3A_37 = tpu.vector_load %arg14[%swap3A_35, %swap3A_36] {strides = array<i32>} : memref<96x128xf32, #tpu.memory_space<vmem>>, vector<16xf32>,
      tpu.vector_store %arg14[%swap3A_35, %swap3A_36], %broadcast_in_dim3A_34 {strides = array<i32>} : memref<96x128xf32, #tpu.memory_space<vmem>>, vector<16xf32>,
      %broadcast_in_dim3A_38 = arith.constant 0.000000e+00 : f32
      %broadcast_in_dim3A_39 = vector.broadcast %broadcast_in_dim3A_38 : f32 to vector<16xf32>
      %swap3A_40 = arith.index_cast %add3A_23 : i32 to index
      %swap3A_41 = arith.constant 48 : index
      %swap3A_42 = tpu.vector_load %arg14[%swap3A_40, %swap3A_41] {strides = array<i32>} : memref<96x128xf32, #tpu.memory_space<vmem>>, vector<16xf32>,
      tpu.vector_store %arg14[%swap3A_40, %swap3A_41], %broadcast_in_dim3A_39 {strides = array<i32>} : memref<96x128xf32, #tpu.memory_space<vmem>>, vector<16xf32>,
      %broadcast_in_dim3A_43 = arith.constant 0.000000e+00 : f32
      %broadcast_in_dim3A_44 = vector.broadcast %broadcast_in_dim3A_43 : f32 to vector<16xf32>
      %swap3A_45 = arith.index_cast %add3A_23 : i32 to index
      %swap3A_46 = arith.constant 64 : index
      %swap3A_47 = tpu.vector_load %arg14[%swap3A_45, %swap3A_46] {strides = array<i32>} : memref<96x128xf32, #tpu.memory_space<vmem>>, vector<16xf32>,
      tpu.vector_store %arg14[%swap3A_45, %swap3A_46], %broadcast_in_dim3A_44 {strides = array<i32>} : memref<96x128xf32, #tpu.memory_space<vmem>>, vector<16xf32>,
      %broadcast_in_dim3A_48 = arith.constant 0.000000e+00 : f32
      %broadcast_in_dim3A_49 = vector.broadcast %broadcast_in_dim3A_48 : f32 to vector<16xf32>
      %swap3A_50 = arith.index_cast %add3A_23 : i32 to index
      %swap3A_51 = arith.constant 80 : index
      %swap3A_52 = tpu.vector_load %arg14[%swap3A_50, %swap3A_51] {strides = array<i32>} : memref<96x128xf32, #tpu.memory_space<vmem>>, vector<16xf32>,
      tpu.vector_store %arg14[%swap3A_50, %swap3A_51], %broadcast_in_dim3A_49 {strides = array<i32>} : memref<96x128xf32, #tpu.memory_space<vmem>>, vector<16xf32>,
      %broadcast_in_dim3A_53 = arith.constant 0.000000e+00 : f32
      %broadcast_in_dim3A_54 = vector.broadcast %broadcast_in_dim3A_53 : f32 to vector<16xf32>
      %swap3A_55 = arith.index_cast %add3A_23 : i32 to index
      %swap3A_56 = arith.constant 96 : index
      %swap3A_57 = tpu.vector_load %arg14[%swap3A_55, %swap3A_56] {strides = array<i32>} : memref<96x128xf32, #tpu.memory_space<vmem>>, vector<16xf32>,
      tpu.vector_store %arg14[%swap3A_55, %swap3A_56], %broadcast_in_dim3A_54 {strides = array<i32>} : memref<96x128xf32, #tpu.memory_space<vmem>>, vector<16xf32>,
      %broadcast_in_dim3A_58 = arith.constant 0.000000e+00 : f32
      %broadcast_in_dim3A_59 = vector.broadcast %broadcast_in_dim3A_58 : f32 to vector<16xf32>
      %swap3A_60 = arith.index_cast %add3A_23 : i32 to index
      %swap3A_61 = arith.constant 112 : index
      %swap3A_62 = tpu.vector_load %arg14[%swap3A_60, %swap3A_61] {strides = array<i32>} : memref<96x128xf32, #tpu.memory_space<vmem>>, vector<16xf32>,
      tpu.vector_store %arg14[%swap3A_60, %swap3A_61], %broadcast_in_dim3A_59 {strides = array<i32>} : memref<96x128xf32, #tpu.memory_space<vmem>>, vector<16xf32>,
    }
    %scan3A_6 = arith.constant 96 : i32
    %broadcast_in_dim3A = arith.constant 1.000000e+00 : f32
    %broadcast_in_dim3A_7 = vector.broadcast %broadcast_in_dim3A : f32 to vector<16xf32>
    %scan3A_8 = arith.constant 0 : i32
    %scan3A_9 = arith.constant 80 : i32
    %scan3A_10 = arith.addi %scan3A_8, %scan3A_9 : i32
    %scan3A_11 = arith.constant 1 : i32
    scf.for %scan3A_19 = %scan3A_8 to %scan3A_10 step %scan3A_11  : i32 {
      %mul3A_20 = arith.constant 1 : i32
      %mul3A_21 = arith.muli %scan3A_19, %mul3A_20 : i32
      %add3A_22 = arith.constant 0 : i32
      %add3A_23 = arith.addi %add3A_22, %mul3A_21 : i32
      %get3A = arith.index_cast %add3A_23 : i32 to index
      %get3A_24 = arith.constant 0 : index
      %get3A_25 = tpu.vector_load %arg13[%get3A, %get3A_24] {strides = array<i32>} : memref<80x128xi32, #tpu.memory_space<vmem>>, vector<16xi32>,
      %shift_right_logical3A = arith.constant 7 : i32
      %shift_right_logical3A_26 = vector.broadcast %shift_right_logical3A : i32 to vector<16xi32>
      %shift_right_logical3A_27 = arith.shrui %get3A_25, %shift_right_logical3A_26 : vector<16xi32>
      %and3A = arith.constant 127 : i32
      %and3A_28 = vector.broadcast %and3A : i32 to vector<16xi32>
      %and3A_29 = arith.andi %get3A_25, %and3A_28 : vector<16xi32>
      tpu.vector_store_idx %arg14[%shift_right_logical3A_27, %and3A_29], %broadcast_in_dim3A_7 {add = true} : memref<96x128xf32, #tpu.memory_space<vmem>>[vector<16xi32>, vector<16xi32>], vector<16xf32>,
      %get3A_30 = arith.index_cast %add3A_23 : i32 to index
      %get3A_31 = arith.constant 16 : index
      %get3A_32 = tpu.vector_load %arg13[%get3A_30, %get3A_31] {strides = array<i32>} : memref<80x128xi32, #tpu.memory_space<vmem>>, vector<16xi32>,
      %shift_right_logical3A_33 = arith.constant 7 : i32
      %shift_right_logical3A_34 = vector.broadcast %shift_right_logical3A_33 : i32 to vector<16xi32>
      %shift_right_logical3A_35 = arith.shrui %get3A_32, %shift_right_logical3A_34 : vector<16xi32>
      %and3A_36 = arith.constant 127 : i32
      %and3A_37 = vector.broadcast %and3A_36 : i32 to vector<16xi32>
      %and3A_38 = arith.andi %get3A_32, %and3A_37 : vector<16xi32>
      tpu.vector_store_idx %arg14[%shift_right_logical3A_35, %and3A_38], %broadcast_in_dim3A_7 {add = true} : memref<96x128xf32, #tpu.memory_space<vmem>>[vector<16xi32>, vector<16xi32>], vector<16xf32>,
      %get3A_39 = arith.index_cast %add3A_23 : i32 to index
      %get3A_40 = arith.constant 32 : index
      %get3A_41 = tpu.vector_load %arg13[%get3A_39, %get3A_40] {strides = array<i32>} : memref<80x128xi32, #tpu.memory_space<vmem>>, vector<16xi32>,
      %shift_right_logical3A_42 = arith.constant 7 : i32
      %shift_right_logical3A_43 = vector.broadcast %shift_right_logical3A_42 : i32 to vector<16xi32>
      %shift_right_logical3A_44 = arith.shrui %get3A_41, %shift_right_logical3A_43 : vector<16xi32>
      %and3A_45 = arith.constant 127 : i32
      %and3A_46 = vector.broadcast %and3A_45 : i32 to vector<16xi32>
      %and3A_47 = arith.andi %get3A_41, %and3A_46 : vector<16xi32>
      tpu.vector_store_idx %arg14[%shift_right_logical3A_44, %and3A_47], %broadcast_in_dim3A_7 {add = true} : memref<96x128xf32, #tpu.memory_space<vmem>>[vector<16xi32>, vector<16xi32>], vector<16xf32>,
      %get3A_48 = arith.index_cast %add3A_23 : i32 to index
      %get3A_49 = arith.constant 48 : index
      %get3A_50 = tpu.vector_load %arg13[%get3A_48, %get3A_49] {strides = array<i32>} : memref<80x128xi32, #tpu.memory_space<vmem>>, vector<16xi32>,
      %shift_right_logical3A_51 = arith.constant 7 : i32
      %shift_right_logical3A_52 = vector.broadcast %shift_right_logical3A_51 : i32 to vector<16xi32>
      %shift_right_logical3A_53 = arith.shrui %get3A_50, %shift_right_logical3A_52 : vector<16xi32>
      %and3A_54 = arith.constant 127 : i32
      %and3A_55 = vector.broadcast %and3A_54 : i32 to vector<16xi32>
      %and3A_56 = arith.andi %get3A_50, %and3A_55 : vector<16xi32>
      tpu.vector_store_idx %arg14[%shift_right_logical3A_53, %and3A_56], %broadcast_in_dim3A_7 {add = true} : memref<96x128xf32, #tpu.memory_space<vmem>>[vector<16xi32>, vector<16xi32>], vector<16xf32>,
      %get3A_57 = arith.index_cast %add3A_23 : i32 to index
      %get3A_58 = arith.constant 64 : index
      %get3A_59 = tpu.vector_load %arg13[%get3A_57, %get3A_58] {strides = array<i32>} : memref<80x128xi32, #tpu.memory_space<vmem>>, vector<16xi32>,
      %shift_right_logical3A_60 = arith.constant 7 : i32
      %shift_right_logical3A_61 = vector.broadcast %shift_right_logical3A_60 : i32 to vector<16xi32>
      %shift_right_logical3A_62 = arith.shrui %get3A_59, %shift_right_logical3A_61 : vector<16xi32>
      %and3A_63 = arith.constant 127 : i32
      %and3A_64 = vector.broadcast %and3A_63 : i32 to vector<16xi32>
      %and3A_65 = arith.andi %get3A_59, %and3A_64 : vector<16xi32>
      tpu.vector_store_idx %arg14[%shift_right_logical3A_62, %and3A_65], %broadcast_in_dim3A_7 {add = true} : memref<96x128xf32, #tpu.memory_space<vmem>>[vector<16xi32>, vector<16xi32>], vector<16xf32>,
      %get3A_66 = arith.index_cast %add3A_23 : i32 to index
      %get3A_67 = arith.constant 80 : index
      %get3A_68 = tpu.vector_load %arg13[%get3A_66, %get3A_67] {strides = array<i32>} : memref<80x128xi32, #tpu.memory_space<vmem>>, vector<16xi32>,
      %shift_right_logical3A_69 = arith.constant 7 : i32
      %shift_right_logical3A_70 = vector.broadcast %shift_right_logical3A_69 : i32 to vector<16xi32>
      %shift_right_logical3A_71 = arith.shrui %get3A_68, %shift_right_logical3A_70 : vector<16xi32>
      %and3A_72 = arith.constant 127 : i32
      %and3A_73 = vector.broadcast %and3A_72 : i32 to vector<16xi32>
      %and3A_74 = arith.andi %get3A_68, %and3A_73 : vector<16xi32>
      tpu.vector_store_idx %arg14[%shift_right_logical3A_71, %and3A_74], %broadcast_in_dim3A_7 {add = true} : memref<96x128xf32, #tpu.memory_space<vmem>>[vector<16xi32>, vector<16xi32>], vector<16xf32>,
      %get3A_75 = arith.index_cast %add3A_23 : i32 to index
      %get3A_76 = arith.constant 96 : index
      %get3A_77 = tpu.vector_load %arg13[%get3A_75, %get3A_76] {strides = array<i32>} : memref<80x128xi32, #tpu.memory_space<vmem>>, vector<16xi32>,
      %shift_right_logical3A_78 = arith.constant 7 : i32
      %shift_right_logical3A_79 = vector.broadcast %shift_right_logical3A_78 : i32 to vector<16xi32>
      %shift_right_logical3A_80 = arith.shrui %get3A_77, %shift_right_logical3A_79 : vector<16xi32>
      %and3A_81 = arith.constant 127 : i32
      %and3A_82 = vector.broadcast %and3A_81 : i32 to vector<16xi32>
      %and3A_83 = arith.andi %get3A_77, %and3A_82 : vector<16xi32>
      tpu.vector_store_idx %arg14[%shift_right_logical3A_80, %and3A_83], %broadcast_in_dim3A_7 {add = true} : memref<96x128xf32, #tpu.memory_space<vmem>>[vector<16xi32>, vector<16xi32>], vector<16xf32>,
      %get3A_84 = arith.index_cast %add3A_23 : i32 to index
      %get3A_85 = arith.constant 112 : index
      %get3A_86 = tpu.vector_load %arg13[%get3A_84, %get3A_85] {strides = array<i32>} : memref<80x128xi32, #tpu.memory_space<vmem>>, vector<16xi32>,
      %shift_right_logical3A_87 = arith.constant 7 : i32
      %shift_right_logical3A_88 = vector.broadcast %shift_right_logical3A_87 : i32 to vector<16xi32>
      %shift_right_logical3A_89 = arith.shrui %get3A_86, %shift_right_logical3A_88 : vector<16xi32>
      %and3A_90 = arith.constant 127 : i32
      %and3A_91 = vector.broadcast %and3A_90 : i32 to vector<16xi32>
      %and3A_92 = arith.andi %get3A_86, %and3A_91 : vector<16xi32>
      tpu.vector_store_idx %arg14[%shift_right_logical3A_89, %and3A_92], %broadcast_in_dim3A_7 {add = true} : memref<96x128xf32, #tpu.memory_space<vmem>>[vector<16xi32>, vector<16xi32>], vector<16xf32>,
    }
    %scan3A_12 = arith.constant 80 : i32
    %barrier3A = arith.constant 0 : index
    tpu.barrier barrier_id(%barrier3A)
    %run_scoped3A = arith.constant 0 : i32
    "tpu.region"() ({
      %run_scoped3A_19 = tpu.sem_alloc : memref<!tpu.dma_semaphore, #tpu.memory_space<semaphore_mem>>
      %dma_start3A = arith.constant 0 : i32
      %dma_start3A_20 = tpu.memref_slice %arg15[%run_scoped3A, %dma_start3A] : memref<1x96xi32, #tpu.memory_space<vmem>> -> memref<1x96xi32, #tpu.memory_space<vmem>>
      %dma_start3A_21 = tpu.memref_squeeze %dma_start3A_20 : memref<1x96xi32, #tpu.memory_space<vmem>> -> memref<96xi32, #tpu.memory_space<vmem>>
      %dma_start3A_22 = arith.constant 0 : i32
      %dma_start3A_23 = arith.constant 0 : i32
      %dma_start3A_24 = tpu.memref_slice %arg16[%dma_start3A_22, %dma_start3A_23] : memref<96x128xf32, #tpu.memory_space<vmem_shared>> -> memref<96x128xf32, #tpu.memory_space<vmem_shared>>
      tpu.enqueue_indirect_dma source(%arg14 : memref<96x128xf32, #tpu.memory_space<vmem>>) target(%dma_start3A_24 : memref<96x128xf32, #tpu.memory_space<vmem_shared>>) offsets(%dma_start3A_21 : memref<96xi32, #tpu.memory_space<vmem>>) semaphore(%run_scoped3A_19 : memref<!tpu.dma_semaphore, #tpu.memory_space<semaphore_mem>>) {add = true}
      %dma_wait3A = arith.constant 0 : i32
      %dma_wait3A_25 = tpu.memref_slice %arg15[%run_scoped3A, %dma_wait3A] : memref<1x96xi32, #tpu.memory_space<vmem>> -> memref<1x96xi32, #tpu.memory_space<vmem>>
      %dma_wait3A_26 = tpu.memref_squeeze %dma_wait3A_25 : memref<1x96xi32, #tpu.memory_space<vmem>> -> memref<96xi32, #tpu.memory_space<vmem>>
      %dma_wait3A_27 = arith.constant 0 : i32
      %dma_wait3A_28 = arith.constant 0 : i32
      %dma_wait3A_29 = tpu.memref_slice %arg16[%dma_wait3A_27, %dma_wait3A_28] : memref<96x128xf32, #tpu.memory_space<vmem_shared>> -> memref<96x128xf32, #tpu.memory_space<vmem_shared>>
      tpu.wait_indirect_dma semaphore(%run_scoped3A_19 : memref<!tpu.dma_semaphore, #tpu.memory_space<semaphore_mem>>) src(%arg14 : memref<96x128xf32, #tpu.memory_space<vmem>>) dst(%dma_wait3A_29 : memref<96x128xf32, #tpu.memory_space<vmem_shared>>)
      tpu.yield
    }) : () -> ()
    "tpu.region"() ({
      %run_scoped3A_19 = tpu.sem_alloc : memref<!tpu.dma_semaphore, #tpu.memory_space<semaphore_mem>>
      %dma_start3A = arith.constant 0 : i32
      %dma_start3A_20 = arith.constant 0 : i32
      %dma_start3A_21 = tpu.memref_slice %arg6[%add3A, %dma_start3A, %dma_start3A_20] : memref<32x12x128xi32, #tpu.memory_space<hbm>> -> memref<1x12x128xi32, #tpu.memory_space<hbm>>
      %dma_start3A_22 = tpu.memref_squeeze %dma_start3A_21 : memref<1x12x128xi32, #tpu.memory_space<hbm>> -> memref<12x128xi32, #tpu.memory_space<hbm>>
      %dma_start3A_23 = arith.constant 0 : i32
      %dma_start3A_24 = arith.constant 0 : i32
      %dma_start3A_25 = tpu.memref_slice %arg6[%add3A, %dma_start3A_23, %dma_start3A_24] : memref<32x12x128xi32, #tpu.memory_space<hbm>> -> memref<1x12x128xi32, #tpu.memory_space<hbm>>
      %dma_start3A_26 = tpu.memref_squeeze %dma_start3A_25 : memref<1x12x128xi32, #tpu.memory_space<hbm>> -> memref<12x128xi32, #tpu.memory_space<hbm>>
      tpu.enqueue_dma source(%dma_start3A_26 : memref<12x128xi32, #tpu.memory_space<hbm>>) target(%arg12 : memref<12x128xi32, #tpu.memory_space<vmem>>) target_semaphore(%run_scoped3A_19 : memref<!tpu.dma_semaphore, #tpu.memory_space<semaphore_mem>>)
      %dma_wait3A = arith.constant 0 : i32
      %dma_wait3A_27 = arith.constant 0 : i32
      %dma_wait3A_28 = tpu.memref_slice %arg6[%add3A, %dma_wait3A, %dma_wait3A_27] : memref<32x12x128xi32, #tpu.memory_space<hbm>> -> memref<1x12x128xi32, #tpu.memory_space<hbm>>
      %dma_wait3A_29 = tpu.memref_squeeze %dma_wait3A_28 : memref<1x12x128xi32, #tpu.memory_space<hbm>> -> memref<12x128xi32, #tpu.memory_space<hbm>>
      %dma_wait3A_30 = arith.constant 0 : i32
      %dma_wait3A_31 = arith.constant 0 : i32
      %dma_wait3A_32 = tpu.memref_slice %arg6[%add3A, %dma_wait3A_30, %dma_wait3A_31] : memref<32x12x128xi32, #tpu.memory_space<hbm>> -> memref<1x12x128xi32, #tpu.memory_space<hbm>>
      %dma_wait3A_33 = tpu.memref_squeeze %dma_wait3A_32 : memref<1x12x128xi32, #tpu.memory_space<hbm>> -> memref<12x128xi32, #tpu.memory_space<hbm>>
      tpu.wait_dma2 semaphore(%run_scoped3A_19 : memref<!tpu.dma_semaphore, #tpu.memory_space<semaphore_mem>>) src(%dma_wait3A_33 : memref<12x128xi32, #tpu.memory_space<hbm>>) dst(%arg12 : memref<12x128xi32, #tpu.memory_space<vmem>>)
      tpu.yield
    }) : () -> ()
    "tpu.region"() ({
      %run_scoped3A_19 = memref.alloca() : memref<128x128xf32, #tpu.memory_space<vmem>>
      %run_scoped3A_20 = arith.constant 0 : i32
      "tpu.region"() ({
        %run_scoped3A_116 = tpu.sem_alloc : memref<!tpu.dma_semaphore, #tpu.memory_space<semaphore_mem>>
        %dma_start3A = arith.constant 0 : i32
        %dma_start3A_117 = tpu.memref_slice %arg12[%run_scoped3A_20, %dma_start3A] : memref<12x128xi32, #tpu.memory_space<vmem>> -> memref<1x128xi32, #tpu.memory_space<vmem>>
        %dma_start3A_118 = tpu.memref_squeeze %dma_start3A_117 : memref<1x128xi32, #tpu.memory_space<vmem>> -> memref<128xi32, #tpu.memory_space<vmem>>
        %dma_start3A_119 = arith.constant 0 : i32
        %dma_start3A_120 = arith.constant 0 : i32
        %dma_start3A_121 = tpu.memref_slice %arg2[%dma_start3A_119, %dma_start3A_120] : memref<117659x128xf32, #tpu.memory_space<hbm>> -> memref<117659x128xf32, #tpu.memory_space<hbm>>
        tpu.enqueue_indirect_dma source(%dma_start3A_121 : memref<117659x128xf32, #tpu.memory_space<hbm>>) target(%run_scoped3A_19 : memref<128x128xf32, #tpu.memory_space<vmem>>) offsets(%dma_start3A_118 : memref<128xi32, #tpu.memory_space<vmem>>) semaphore(%run_scoped3A_116 : memref<!tpu.dma_semaphore, #tpu.memory_space<semaphore_mem>>)
        %dma_wait3A = arith.constant 0 : i32
        %dma_wait3A_122 = tpu.memref_slice %arg12[%run_scoped3A_20, %dma_wait3A] : memref<12x128xi32, #tpu.memory_space<vmem>> -> memref<1x128xi32, #tpu.memory_space<vmem>>
        %dma_wait3A_123 = tpu.memref_squeeze %dma_wait3A_122 : memref<1x128xi32, #tpu.memory_space<vmem>> -> memref<128xi32, #tpu.memory_space<vmem>>
        %dma_wait3A_124 = arith.constant 0 : i32
        %dma_wait3A_125 = arith.constant 0 : i32
        %dma_wait3A_126 = tpu.memref_slice %arg2[%dma_wait3A_124, %dma_wait3A_125] : memref<117659x128xf32, #tpu.memory_space<hbm>> -> memref<117659x128xf32, #tpu.memory_space<hbm>>
        tpu.wait_indirect_dma semaphore(%run_scoped3A_116 : memref<!tpu.dma_semaphore, #tpu.memory_space<semaphore_mem>>) src(%dma_wait3A_126 : memref<117659x128xf32, #tpu.memory_space<hbm>>) dst(%run_scoped3A_19 : memref<128x128xf32, #tpu.memory_space<vmem>>)
        tpu.yield
      }) : () -> ()
      %mul3A_21 = arith.constant 3 : i32
      %mul3A_22 = arith.muli %add3A, %mul3A_21 : i32
      %mul3A_23 = arith.constant 128 : i32
      %mul3A_24 = arith.muli %mul3A_22, %mul3A_23 : i32
      %add3A_25 = arith.constant 0 : i32
      %add3A_26 = arith.addi %mul3A_24, %add3A_25 : i32
      %run_scoped3A_27 = arith.constant 0 : i32
      "tpu.region"() ({
        %run_scoped3A_116 = tpu.sem_alloc : memref<!tpu.dma_semaphore, #tpu.memory_space<semaphore_mem>>
        %dma_start3A = arith.constant 0 : i32
        %dma_start3A_117 = tpu.memref_slice %arg10[%run_scoped3A_27, %add3A_26, %dma_start3A] : memref<4x12288x128xf32, #tpu.memory_space<hbm>> -> memref<1x128x128xf32, #tpu.memory_space<hbm>>
        %dma_start3A_118 = tpu.memref_squeeze %dma_start3A_117 : memref<1x128x128xf32, #tpu.memory_space<hbm>> -> memref<128x128xf32, #tpu.memory_space<hbm>>
        %dma_start3A_119 = arith.constant 0 : i32
        %dma_start3A_120 = tpu.memref_slice %arg10[%run_scoped3A_27, %add3A_26, %dma_start3A_119] : memref<4x12288x128xf32, #tpu.memory_space<hbm>> -> memref<1x128x128xf32, #tpu.memory_space<hbm>>
        %dma_start3A_121 = tpu.memref_squeeze %dma_start3A_120 : memref<1x128x128xf32, #tpu.memory_space<hbm>> -> memref<128x128xf32, #tpu.memory_space<hbm>>
        tpu.enqueue_dma source(%run_scoped3A_19 : memref<128x128xf32, #tpu.memory_space<vmem>>) target(%dma_start3A_121 : memref<128x128xf32, #tpu.memory_space<hbm>>) target_semaphore(%run_scoped3A_116 : memref<!tpu.dma_semaphore, #tpu.memory_space<semaphore_mem>>)
        %dma_wait3A = arith.constant 0 : i32
        %dma_wait3A_122 = tpu.memref_slice %arg10[%run_scoped3A_27, %add3A_26, %dma_wait3A] : memref<4x12288x128xf32, #tpu.memory_space<hbm>> -> memref<1x128x128xf32, #tpu.memory_space<hbm>>
        %dma_wait3A_123 = tpu.memref_squeeze %dma_wait3A_122 : memref<1x128x128xf32, #tpu.memory_space<hbm>> -> memref<128x128xf32, #tpu.memory_space<hbm>>
        %dma_wait3A_124 = arith.constant 0 : i32
        %dma_wait3A_125 = tpu.memref_slice %arg10[%run_scoped3A_27, %add3A_26, %dma_wait3A_124] : memref<4x12288x128xf32, #tpu.memory_space<hbm>> -> memref<1x128x128xf32, #tpu.memory_space<hbm>>
        %dma_wait3A_126 = tpu.memref_squeeze %dma_wait3A_125 : memref<1x128x128xf32, #tpu.memory_space<hbm>> -> memref<128x128xf32, #tpu.memory_space<hbm>>
        tpu.wait_dma2 semaphore(%run_scoped3A_116 : memref<!tpu.dma_semaphore, #tpu.memory_space<semaphore_mem>>) src(%run_scoped3A_19 : memref<128x128xf32, #tpu.memory_space<vmem>>) dst(%dma_wait3A_126 : memref<128x128xf32, #tpu.memory_space<hbm>>)
        tpu.yield
      }) : () -> ()
      %run_scoped3A_28 = arith.constant 1 : i32
      "tpu.region"() ({
        %run_scoped3A_116 = tpu.sem_alloc : memref<!tpu.dma_semaphore, #tpu.memory_space<semaphore_mem>>
        %dma_start3A = arith.constant 0 : i32
        %dma_start3A_117 = tpu.memref_slice %arg12[%run_scoped3A_28, %dma_start3A] : memref<12x128xi32, #tpu.memory_space<vmem>> -> memref<1x128xi32, #tpu.memory_space<vmem>>
        %dma_start3A_118 = tpu.memref_squeeze %dma_start3A_117 : memref<1x128xi32, #tpu.memory_space<vmem>> -> memref<128xi32, #tpu.memory_space<vmem>>
        %dma_start3A_119 = arith.constant 0 : i32
        %dma_start3A_120 = arith.constant 0 : i32
        %dma_start3A_121 = tpu.memref_slice %arg2[%dma_start3A_119, %dma_start3A_120] : memref<117659x128xf32, #tpu.memory_space<hbm>> -> memref<117659x128xf32, #tpu.memory_space<hbm>>
        tpu.enqueue_indirect_dma source(%dma_start3A_121 : memref<117659x128xf32, #tpu.memory_space<hbm>>) target(%run_scoped3A_19 : memref<128x128xf32, #tpu.memory_space<vmem>>) offsets(%dma_start3A_118 : memref<128xi32, #tpu.memory_space<vmem>>) semaphore(%run_scoped3A_116 : memref<!tpu.dma_semaphore, #tpu.memory_space<semaphore_mem>>)
        %dma_wait3A = arith.constant 0 : i32
        %dma_wait3A_122 = tpu.memref_slice %arg12[%run_scoped3A_28, %dma_wait3A] : memref<12x128xi32, #tpu.memory_space<vmem>> -> memref<1x128xi32, #tpu.memory_space<vmem>>
        %dma_wait3A_123 = tpu.memref_squeeze %dma_wait3A_122 : memref<1x128xi32, #tpu.memory_space<vmem>> -> memref<128xi32, #tpu.memory_space<vmem>>
        %dma_wait3A_124 = arith.constant 0 : i32
        %dma_wait3A_125 = arith.constant 0 : i32
        %dma_wait3A_126 = tpu.memref_slice %arg2[%dma_wait3A_124, %dma_wait3A_125] : memref<117659x128xf32, #tpu.memory_space<hbm>> -> memref<117659x128xf32, #tpu.memory_space<hbm>>
        tpu.wait_indirect_dma semaphore(%run_scoped3A_116 : memref<!tpu.dma_semaphore, #tpu.memory_space<semaphore_mem>>) src(%dma_wait3A_126 : memref<117659x128xf32, #tpu.memory_space<hbm>>) dst(%run_scoped3A_19 : memref<128x128xf32, #tpu.memory_space<vmem>>)
        tpu.yield
      }) : () -> ()
      %mul3A_29 = arith.constant 3 : i32
      %mul3A_30 = arith.muli %add3A, %mul3A_29 : i32
      %mul3A_31 = arith.constant 128 : i32
      %mul3A_32 = arith.muli %mul3A_30, %mul3A_31 : i32
      %add3A_33 = arith.constant 128 : i32
      %add3A_34 = arith.addi %mul3A_32, %add3A_33 : i32
      %run_scoped3A_35 = arith.constant 0 : i32
      "tpu.region"() ({
        %run_scoped3A_116 = tpu.sem_alloc : memref<!tpu.dma_semaphore, #tpu.memory_space<semaphore_mem>>
        %dma_start3A = arith.constant 0 : i32
        %dma_start3A_117 = tpu.memref_slice %arg10[%run_scoped3A_35, %add3A_34, %dma_start3A] : memref<4x12288x128xf32, #tpu.memory_space<hbm>> -> memref<1x128x128xf32, #tpu.memory_space<hbm>>
        %dma_start3A_118 = tpu.memref_squeeze %dma_start3A_117 : memref<1x128x128xf32, #tpu.memory_space<hbm>> -> memref<128x128xf32, #tpu.memory_space<hbm>>
        %dma_start3A_119 = arith.constant 0 : i32
        %dma_start3A_120 = tpu.memref_slice %arg10[%run_scoped3A_35, %add3A_34, %dma_start3A_119] : memref<4x12288x128xf32, #tpu.memory_space<hbm>> -> memref<1x128x128xf32, #tpu.memory_space<hbm>>
        %dma_start3A_121 = tpu.memref_squeeze %dma_start3A_120 : memref<1x128x128xf32, #tpu.memory_space<hbm>> -> memref<128x128xf32, #tpu.memory_space<hbm>>
        tpu.enqueue_dma source(%run_scoped3A_19 : memref<128x128xf32, #tpu.memory_space<vmem>>) target(%dma_start3A_121 : memref<128x128xf32, #tpu.memory_space<hbm>>) target_semaphore(%run_scoped3A_116 : memref<!tpu.dma_semaphore, #tpu.memory_space<semaphore_mem>>)
        %dma_wait3A = arith.constant 0 : i32
        %dma_wait3A_122 = tpu.memref_slice %arg10[%run_scoped3A_35, %add3A_34, %dma_wait3A] : memref<4x12288x128xf32, #tpu.memory_space<hbm>> -> memref<1x128x128xf32, #tpu.memory_space<hbm>>
        %dma_wait3A_123 = tpu.memref_squeeze %dma_wait3A_122 : memref<1x128x128xf32, #tpu.memory_space<hbm>> -> memref<128x128xf32, #tpu.memory_space<hbm>>
        %dma_wait3A_124 = arith.constant 0 : i32
        %dma_wait3A_125 = tpu.memref_slice %arg10[%run_scoped3A_35, %add3A_34, %dma_wait3A_124] : memref<4x12288x128xf32, #tpu.memory_space<hbm>> -> memref<1x128x128xf32, #tpu.memory_space<hbm>>
        %dma_wait3A_126 = tpu.memref_squeeze %dma_wait3A_125 : memref<1x128x128xf32, #tpu.memory_space<hbm>> -> memref<128x128xf32, #tpu.memory_space<hbm>>
        tpu.wait_dma2 semaphore(%run_scoped3A_116 : memref<!tpu.dma_semaphore, #tpu.memory_space<semaphore_mem>>) src(%run_scoped3A_19 : memref<128x128xf32, #tpu.memory_space<vmem>>) dst(%dma_wait3A_126 : memref<128x128xf32, #tpu.memory_space<hbm>>)
        tpu.yield
      }) : () -> ()
      %run_scoped3A_36 = arith.constant 2 : i32
      "tpu.region"() ({
        %run_scoped3A_116 = tpu.sem_alloc : memref<!tpu.dma_semaphore, #tpu.memory_space<semaphore_mem>>
        %dma_start3A = arith.constant 0 : i32
        %dma_start3A_117 = tpu.memref_slice %arg12[%run_scoped3A_36, %dma_start3A] : memref<12x128xi32, #tpu.memory_space<vmem>> -> memref<1x128xi32, #tpu.memory_space<vmem>>
        %dma_start3A_118 = tpu.memref_squeeze %dma_start3A_117 : memref<1x128xi32, #tpu.memory_space<vmem>> -> memref<128xi32, #tpu.memory_space<vmem>>
        %dma_start3A_119 = arith.constant 0 : i32
        %dma_start3A_120 = arith.constant 0 : i32
        %dma_start3A_121 = tpu.memref_slice %arg2[%dma_start3A_119, %dma_start3A_120] : memref<117659x128xf32, #tpu.memory_space<hbm>> -> memref<117659x128xf32, #tpu.memory_space<hbm>>
        tpu.enqueue_indirect_dma source(%dma_start3A_121 : memref<117659x128xf32, #tpu.memory_space<hbm>>) target(%run_scoped3A_19 : memref<128x128xf32, #tpu.memory_space<vmem>>) offsets(%dma_start3A_118 : memref<128xi32, #tpu.memory_space<vmem>>) semaphore(%run_scoped3A_116 : memref<!tpu.dma_semaphore, #tpu.memory_space<semaphore_mem>>)
        %dma_wait3A = arith.constant 0 : i32
        %dma_wait3A_122 = tpu.memref_slice %arg12[%run_scoped3A_36, %dma_wait3A] : memref<12x128xi32, #tpu.memory_space<vmem>> -> memref<1x128xi32, #tpu.memory_space<vmem>>
        %dma_wait3A_123 = tpu.memref_squeeze %dma_wait3A_122 : memref<1x128xi32, #tpu.memory_space<vmem>> -> memref<128xi32, #tpu.memory_space<vmem>>
        %dma_wait3A_124 = arith.constant 0 : i32
        %dma_wait3A_125 = arith.constant 0 : i32
        %dma_wait3A_126 = tpu.memref_slice %arg2[%dma_wait3A_124, %dma_wait3A_125] : memref<117659x128xf32, #tpu.memory_space<hbm>> -> memref<117659x128xf32, #tpu.memory_space<hbm>>
        tpu.wait_indirect_dma semaphore(%run_scoped3A_116 : memref<!tpu.dma_semaphore, #tpu.memory_space<semaphore_mem>>) src(%dma_wait3A_126 : memref<117659x128xf32, #tpu.memory_space<hbm>>) dst(%run_scoped3A_19 : memref<128x128xf32, #tpu.memory_space<vmem>>)
        tpu.yield
      }) : () -> ()
      %mul3A_37 = arith.constant 3 : i32
      %mul3A_38 = arith.muli %add3A, %mul3A_37 : i32
      %mul3A_39 = arith.constant 128 : i32
      %mul3A_40 = arith.muli %mul3A_38, %mul3A_39 : i32
      %add3A_41 = arith.constant 256 : i32
      %add3A_42 = arith.addi %mul3A_40, %add3A_41 : i32
      %run_scoped3A_43 = arith.constant 0 : i32
      "tpu.region"() ({
        %run_scoped3A_116 = tpu.sem_alloc : memref<!tpu.dma_semaphore, #tpu.memory_space<semaphore_mem>>
        %dma_start3A = arith.constant 0 : i32
        %dma_start3A_117 = tpu.memref_slice %arg10[%run_scoped3A_43, %add3A_42, %dma_start3A] : memref<4x12288x128xf32, #tpu.memory_space<hbm>> -> memref<1x128x128xf32, #tpu.memory_space<hbm>>
        %dma_start3A_118 = tpu.memref_squeeze %dma_start3A_117 : memref<1x128x128xf32, #tpu.memory_space<hbm>> -> memref<128x128xf32, #tpu.memory_space<hbm>>
        %dma_start3A_119 = arith.constant 0 : i32
        %dma_start3A_120 = tpu.memref_slice %arg10[%run_scoped3A_43, %add3A_42, %dma_start3A_119] : memref<4x12288x128xf32, #tpu.memory_space<hbm>> -> memref<1x128x128xf32, #tpu.memory_space<hbm>>
        %dma_start3A_121 = tpu.memref_squeeze %dma_start3A_120 : memref<1x128x128xf32, #tpu.memory_space<hbm>> -> memref<128x128xf32, #tpu.memory_space<hbm>>
        tpu.enqueue_dma source(%run_scoped3A_19 : memref<128x128xf32, #tpu.memory_space<vmem>>) target(%dma_start3A_121 : memref<128x128xf32, #tpu.memory_space<hbm>>) target_semaphore(%run_scoped3A_116 : memref<!tpu.dma_semaphore, #tpu.memory_space<semaphore_mem>>)
        %dma_wait3A = arith.constant 0 : i32
        %dma_wait3A_122 = tpu.memref_slice %arg10[%run_scoped3A_43, %add3A_42, %dma_wait3A] : memref<4x12288x128xf32, #tpu.memory_space<hbm>> -> memref<1x128x128xf32, #tpu.memory_space<hbm>>
        %dma_wait3A_123 = tpu.memref_squeeze %dma_wait3A_122 : memref<1x128x128xf32, #tpu.memory_space<hbm>> -> memref<128x128xf32, #tpu.memory_space<hbm>>
        %dma_wait3A_124 = arith.constant 0 : i32
        %dma_wait3A_125 = tpu.memref_slice %arg10[%run_scoped3A_43, %add3A_42, %dma_wait3A_124] : memref<4x12288x128xf32, #tpu.memory_space<hbm>> -> memref<1x128x128xf32, #tpu.memory_space<hbm>>
        %dma_wait3A_126 = tpu.memref_squeeze %dma_wait3A_125 : memref<1x128x128xf32, #tpu.memory_space<hbm>> -> memref<128x128xf32, #tpu.memory_space<hbm>>
        tpu.wait_dma2 semaphore(%run_scoped3A_116 : memref<!tpu.dma_semaphore, #tpu.memory_space<semaphore_mem>>) src(%run_scoped3A_19 : memref<128x128xf32, #tpu.memory_space<vmem>>) dst(%dma_wait3A_126 : memref<128x128xf32, #tpu.memory_space<hbm>>)
        tpu.yield
      }) : () -> ()
      %run_scoped3A_44 = arith.constant 3 : i32
      "tpu.region"() ({
        %run_scoped3A_116 = tpu.sem_alloc : memref<!tpu.dma_semaphore, #tpu.memory_space<semaphore_mem>>
        %dma_start3A = arith.constant 0 : i32
        %dma_start3A_117 = tpu.memref_slice %arg12[%run_scoped3A_44, %dma_start3A] : memref<12x128xi32, #tpu.memory_space<vmem>> -> memref<1x128xi32, #tpu.memory_space<vmem>>
        %dma_start3A_118 = tpu.memref_squeeze %dma_start3A_117 : memref<1x128xi32, #tpu.memory_space<vmem>> -> memref<128xi32, #tpu.memory_space<vmem>>
        %dma_start3A_119 = arith.constant 0 : i32
        %dma_start3A_120 = arith.constant 0 : i32
        %dma_start3A_121 = tpu.memref_slice %arg3[%dma_start3A_119, %dma_start3A_120] : memref<5x128xf32, #tpu.memory_space<hbm>> -> memref<5x128xf32, #tpu.memory_space<hbm>>
        tpu.enqueue_indirect_dma source(%dma_start3A_121 : memref<5x128xf32, #tpu.memory_space<hbm>>) target(%run_scoped3A_19 : memref<128x128xf32, #tpu.memory_space<vmem>>) offsets(%dma_start3A_118 : memref<128xi32, #tpu.memory_space<vmem>>) semaphore(%run_scoped3A_116 : memref<!tpu.dma_semaphore, #tpu.memory_space<semaphore_mem>>)
        %dma_wait3A = arith.constant 0 : i32
        %dma_wait3A_122 = tpu.memref_slice %arg12[%run_scoped3A_44, %dma_wait3A] : memref<12x128xi32, #tpu.memory_space<vmem>> -> memref<1x128xi32, #tpu.memory_space<vmem>>
        %dma_wait3A_123 = tpu.memref_squeeze %dma_wait3A_122 : memref<1x128xi32, #tpu.memory_space<vmem>> -> memref<128xi32, #tpu.memory_space<vmem>>
        %dma_wait3A_124 = arith.constant 0 : i32
        %dma_wait3A_125 = arith.constant 0 : i32
        %dma_wait3A_126 = tpu.memref_slice %arg3[%dma_wait3A_124, %dma_wait3A_125] : memref<5x128xf32, #tpu.memory_space<hbm>> -> memref<5x128xf32, #tpu.memory_space<hbm>>
        tpu.wait_indirect_dma semaphore(%run_scoped3A_116 : memref<!tpu.dma_semaphore, #tpu.memory_space<semaphore_mem>>) src(%dma_wait3A_126 : memref<5x128xf32, #tpu.memory_space<hbm>>) dst(%run_scoped3A_19 : memref<128x128xf32, #tpu.memory_space<vmem>>)
        tpu.yield
      }) : () -> ()
      %mul3A_45 = arith.constant 3 : i32
      %mul3A_46 = arith.muli %add3A, %mul3A_45 : i32
      %mul3A_47 = arith.constant 128 : i32
      %mul3A_48 = arith.muli %mul3A_46, %mul3A_47 : i32
      %add3A_49 = arith.constant 0 : i32
      %add3A_50 = arith.addi %mul3A_48, %add3A_49 : i32
      %run_scoped3A_51 = arith.constant 1 : i32
      "tpu.region"() ({
        %run_scoped3A_116 = tpu.sem_alloc : memref<!tpu.dma_semaphore, #tpu.memory_space<semaphore_mem>>
        %dma_start3A = arith.constant 0 : i32
        %dma_start3A_117 = tpu.memref_slice %arg10[%run_scoped3A_51, %add3A_50, %dma_start3A] : memref<4x12288x128xf32, #tpu.memory_space<hbm>> -> memref<1x128x128xf32, #tpu.memory_space<hbm>>
        %dma_start3A_118 = tpu.memref_squeeze %dma_start3A_117 : memref<1x128x128xf32, #tpu.memory_space<hbm>> -> memref<128x128xf32, #tpu.memory_space<hbm>>
        %dma_start3A_119 = arith.constant 0 : i32
        %dma_start3A_120 = tpu.memref_slice %arg10[%run_scoped3A_51, %add3A_50, %dma_start3A_119] : memref<4x12288x128xf32, #tpu.memory_space<hbm>> -> memref<1x128x128xf32, #tpu.memory_space<hbm>>
        %dma_start3A_121 = tpu.memref_squeeze %dma_start3A_120 : memref<1x128x128xf32, #tpu.memory_space<hbm>> -> memref<128x128xf32, #tpu.memory_space<hbm>>
        tpu.enqueue_dma source(%run_scoped3A_19 : memref<128x128xf32, #tpu.memory_space<vmem>>) target(%dma_start3A_121 : memref<128x128xf32, #tpu.memory_space<hbm>>) target_semaphore(%run_scoped3A_116 : memref<!tpu.dma_semaphore, #tpu.memory_space<semaphore_mem>>)
        %dma_wait3A = arith.constant 0 : i32
        %dma_wait3A_122 = tpu.memref_slice %arg10[%run_scoped3A_51, %add3A_50, %dma_wait3A] : memref<4x12288x128xf32, #tpu.memory_space<hbm>> -> memref<1x128x128xf32, #tpu.memory_space<hbm>>
        %dma_wait3A_123 = tpu.memref_squeeze %dma_wait3A_122 : memref<1x128x128xf32, #tpu.memory_space<hbm>> -> memref<128x128xf32, #tpu.memory_space<hbm>>
        %dma_wait3A_124 = arith.constant 0 : i32
        %dma_wait3A_125 = tpu.memref_slice %arg10[%run_scoped3A_51, %add3A_50, %dma_wait3A_124] : memref<4x12288x128xf32, #tpu.memory_space<hbm>> -> memref<1x128x128xf32, #tpu.memory_space<hbm>>
        %dma_wait3A_126 = tpu.memref_squeeze %dma_wait3A_125 : memref<1x128x128xf32, #tpu.memory_space<hbm>> -> memref<128x128xf32, #tpu.memory_space<hbm>>
        tpu.wait_dma2 semaphore(%run_scoped3A_116 : memref<!tpu.dma_semaphore, #tpu.memory_space<semaphore_mem>>) src(%run_scoped3A_19 : memref<128x128xf32, #tpu.memory_space<vmem>>) dst(%dma_wait3A_126 : memref<128x128xf32, #tpu.memory_space<hbm>>)
        tpu.yield
      }) : () -> ()
      %run_scoped3A_52 = arith.constant 4 : i32
      "tpu.region"() ({
        %run_scoped3A_116 = tpu.sem_alloc : memref<!tpu.dma_semaphore, #tpu.memory_space<semaphore_mem>>
        %dma_start3A = arith.constant 0 : i32
        %dma_start3A_117 = tpu.memref_slice %arg12[%run_scoped3A_52, %dma_start3A] : memref<12x128xi32, #tpu.memory_space<vmem>> -> memref<1x128xi32, #tpu.memory_space<vmem>>
        %dma_start3A_118 = tpu.memref_squeeze %dma_start3A_117 : memref<1x128xi32, #tpu.memory_space<vmem>> -> memref<128xi32, #tpu.memory_space<vmem>>
        %dma_start3A_119 = arith.constant 0 : i32
        %dma_start3A_120 = arith.constant 0 : i32
        %dma_start3A_121 = tpu.memref_slice %arg3[%dma_start3A_119, %dma_start3A_120] : memref<5x128xf32, #tpu.memory_space<hbm>> -> memref<5x128xf32, #tpu.memory_space<hbm>>
        tpu.enqueue_indirect_dma source(%dma_start3A_121 : memref<5x128xf32, #tpu.memory_space<hbm>>) target(%run_scoped3A_19 : memref<128x128xf32, #tpu.memory_space<vmem>>) offsets(%dma_start3A_118 : memref<128xi32, #tpu.memory_space<vmem>>) semaphore(%run_scoped3A_116 : memref<!tpu.dma_semaphore, #tpu.memory_space<semaphore_mem>>)
        %dma_wait3A = arith.constant 0 : i32
        %dma_wait3A_122 = tpu.memref_slice %arg12[%run_scoped3A_52, %dma_wait3A] : memref<12x128xi32, #tpu.memory_space<vmem>> -> memref<1x128xi32, #tpu.memory_space<vmem>>
        %dma_wait3A_123 = tpu.memref_squeeze %dma_wait3A_122 : memref<1x128xi32, #tpu.memory_space<vmem>> -> memref<128xi32, #tpu.memory_space<vmem>>
        %dma_wait3A_124 = arith.constant 0 : i32
        %dma_wait3A_125 = arith.constant 0 : i32
        %dma_wait3A_126 = tpu.memref_slice %arg3[%dma_wait3A_124, %dma_wait3A_125] : memref<5x128xf32, #tpu.memory_space<hbm>> -> memref<5x128xf32, #tpu.memory_space<hbm>>
        tpu.wait_indirect_dma semaphore(%run_scoped3A_116 : memref<!tpu.dma_semaphore, #tpu.memory_space<semaphore_mem>>) src(%dma_wait3A_126 : memref<5x128xf32, #tpu.memory_space<hbm>>) dst(%run_scoped3A_19 : memref<128x128xf32, #tpu.memory_space<vmem>>)
        tpu.yield
      }) : () -> ()
      %mul3A_53 = arith.constant 3 : i32
      %mul3A_54 = arith.muli %add3A, %mul3A_53 : i32
      %mul3A_55 = arith.constant 128 : i32
      %mul3A_56 = arith.muli %mul3A_54, %mul3A_55 : i32
      %add3A_57 = arith.constant 128 : i32
      %add3A_58 = arith.addi %mul3A_56, %add3A_57 : i32
      %run_scoped3A_59 = arith.constant 1 : i32
      "tpu.region"() ({
        %run_scoped3A_116 = tpu.sem_alloc : memref<!tpu.dma_semaphore, #tpu.memory_space<semaphore_mem>>
        %dma_start3A = arith.constant 0 : i32
        %dma_start3A_117 = tpu.memref_slice %arg10[%run_scoped3A_59, %add3A_58, %dma_start3A] : memref<4x12288x128xf32, #tpu.memory_space<hbm>> -> memref<1x128x128xf32, #tpu.memory_space<hbm>>
        %dma_start3A_118 = tpu.memref_squeeze %dma_start3A_117 : memref<1x128x128xf32, #tpu.memory_space<hbm>> -> memref<128x128xf32, #tpu.memory_space<hbm>>
        %dma_start3A_119 = arith.constant 0 : i32
        %dma_start3A_120 = tpu.memref_slice %arg10[%run_scoped3A_59, %add3A_58, %dma_start3A_119] : memref<4x12288x128xf32, #tpu.memory_space<hbm>> -> memref<1x128x128xf32, #tpu.memory_space<hbm>>
        %dma_start3A_121 = tpu.memref_squeeze %dma_start3A_120 : memref<1x128x128xf32, #tpu.memory_space<hbm>> -> memref<128x128xf32, #tpu.memory_space<hbm>>
        tpu.enqueue_dma source(%run_scoped3A_19 : memref<128x128xf32, #tpu.memory_space<vmem>>) target(%dma_start3A_121 : memref<128x128xf32, #tpu.memory_space<hbm>>) target_semaphore(%run_scoped3A_116 : memref<!tpu.dma_semaphore, #tpu.memory_space<semaphore_mem>>)
        %dma_wait3A = arith.constant 0 : i32
        %dma_wait3A_122 = tpu.memref_slice %arg10[%run_scoped3A_59, %add3A_58, %dma_wait3A] : memref<4x12288x128xf32, #tpu.memory_space<hbm>> -> memref<1x128x128xf32, #tpu.memory_space<hbm>>
        %dma_wait3A_123 = tpu.memref_squeeze %dma_wait3A_122 : memref<1x128x128xf32, #tpu.memory_space<hbm>> -> memref<128x128xf32, #tpu.memory_space<hbm>>
        %dma_wait3A_124 = arith.constant 0 : i32
        %dma_wait3A_125 = tpu.memref_slice %arg10[%run_scoped3A_59, %add3A_58, %dma_wait3A_124] : memref<4x12288x128xf32, #tpu.memory_space<hbm>> -> memref<1x128x128xf32, #tpu.memory_space<hbm>>
        %dma_wait3A_126 = tpu.memref_squeeze %dma_wait3A_125 : memref<1x128x128xf32, #tpu.memory_space<hbm>> -> memref<128x128xf32, #tpu.memory_space<hbm>>
        tpu.wait_dma2 semaphore(%run_scoped3A_116 : memref<!tpu.dma_semaphore, #tpu.memory_space<semaphore_mem>>) src(%run_scoped3A_19 : memref<128x128xf32, #tpu.memory_space<vmem>>) dst(%dma_wait3A_126 : memref<128x128xf32, #tpu.memory_space<hbm>>)
        tpu.yield
      }) : () -> ()
      %run_scoped3A_60 = arith.constant 5 : i32
      "tpu.region"() ({
        %run_scoped3A_116 = tpu.sem_alloc : memref<!tpu.dma_semaphore, #tpu.memory_space<semaphore_mem>>
        %dma_start3A = arith.constant 0 : i32
        %dma_start3A_117 = tpu.memref_slice %arg12[%run_scoped3A_60, %dma_start3A] : memref<12x128xi32, #tpu.memory_space<vmem>> -> memref<1x128xi32, #tpu.memory_space<vmem>>
        %dma_start3A_118 = tpu.memref_squeeze %dma_start3A_117 : memref<1x128xi32, #tpu.memory_space<vmem>> -> memref<128xi32, #tpu.memory_space<vmem>>
        %dma_start3A_119 = arith.constant 0 : i32
        %dma_start3A_120 = arith.constant 0 : i32
        %dma_start3A_121 = tpu.memref_slice %arg3[%dma_start3A_119, %dma_start3A_120] : memref<5x128xf32, #tpu.memory_space<hbm>> -> memref<5x128xf32, #tpu.memory_space<hbm>>
        tpu.enqueue_indirect_dma source(%dma_start3A_121 : memref<5x128xf32, #tpu.memory_space<hbm>>) target(%run_scoped3A_19 : memref<128x128xf32, #tpu.memory_space<vmem>>) offsets(%dma_start3A_118 : memref<128xi32, #tpu.memory_space<vmem>>) semaphore(%run_scoped3A_116 : memref<!tpu.dma_semaphore, #tpu.memory_space<semaphore_mem>>)
        %dma_wait3A = arith.constant 0 : i32
        %dma_wait3A_122 = tpu.memref_slice %arg12[%run_scoped3A_60, %dma_wait3A] : memref<12x128xi32, #tpu.memory_space<vmem>> -> memref<1x128xi32, #tpu.memory_space<vmem>>
        %dma_wait3A_123 = tpu.memref_squeeze %dma_wait3A_122 : memref<1x128xi32, #tpu.memory_space<vmem>> -> memref<128xi32, #tpu.memory_space<vmem>>
        %dma_wait3A_124 = arith.constant 0 : i32
        %dma_wait3A_125 = arith.constant 0 : i32
        %dma_wait3A_126 = tpu.memref_slice %arg3[%dma_wait3A_124, %dma_wait3A_125] : memref<5x128xf32, #tpu.memory_space<hbm>> -> memref<5x128xf32, #tpu.memory_space<hbm>>
        tpu.wait_indirect_dma semaphore(%run_scoped3A_116 : memref<!tpu.dma_semaphore, #tpu.memory_space<semaphore_mem>>) src(%dma_wait3A_126 : memref<5x128xf32, #tpu.memory_space<hbm>>) dst(%run_scoped3A_19 : memref<128x128xf32, #tpu.memory_space<vmem>>)
        tpu.yield
      }) : () -> ()
      %mul3A_61 = arith.constant 3 : i32
      %mul3A_62 = arith.muli %add3A, %mul3A_61 : i32
      %mul3A_63 = arith.constant 128 : i32
      %mul3A_64 = arith.muli %mul3A_62, %mul3A_63 : i32
      %add3A_65 = arith.constant 256 : i32
      %add3A_66 = arith.addi %mul3A_64, %add3A_65 : i32
      %run_scoped3A_67 = arith.constant 1 : i32
      "tpu.region"() ({
        %run_scoped3A_116 = tpu.sem_alloc : memref<!tpu.dma_semaphore, #tpu.memory_space<semaphore_mem>>
        %dma_start3A = arith.constant 0 : i32
        %dma_start3A_117 = tpu.memref_slice %arg10[%run_scoped3A_67, %add3A_66, %dma_start3A] : memref<4x12288x128xf32, #tpu.memory_space<hbm>> -> memref<1x128x128xf32, #tpu.memory_space<hbm>>
        %dma_start3A_118 = tpu.memref_squeeze %dma_start3A_117 : memref<1x128x128xf32, #tpu.memory_space<hbm>> -> memref<128x128xf32, #tpu.memory_space<hbm>>
        %dma_start3A_119 = arith.constant 0 : i32
        %dma_start3A_120 = tpu.memref_slice %arg10[%run_scoped3A_67, %add3A_66, %dma_start3A_119] : memref<4x12288x128xf32, #tpu.memory_space<hbm>> -> memref<1x128x128xf32, #tpu.memory_space<hbm>>
        %dma_start3A_121 = tpu.memref_squeeze %dma_start3A_120 : memref<1x128x128xf32, #tpu.memory_space<hbm>> -> memref<128x128xf32, #tpu.memory_space<hbm>>
        tpu.enqueue_dma source(%run_scoped3A_19 : memref<128x128xf32, #tpu.memory_space<vmem>>) target(%dma_start3A_121 : memref<128x128xf32, #tpu.memory_space<hbm>>) target_semaphore(%run_scoped3A_116 : memref<!tpu.dma_semaphore, #tpu.memory_space<semaphore_mem>>)
        %dma_wait3A = arith.constant 0 : i32
        %dma_wait3A_122 = tpu.memref_slice %arg10[%run_scoped3A_67, %add3A_66, %dma_wait3A] : memref<4x12288x128xf32, #tpu.memory_space<hbm>> -> memref<1x128x128xf32, #tpu.memory_space<hbm>>
        %dma_wait3A_123 = tpu.memref_squeeze %dma_wait3A_122 : memref<1x128x128xf32, #tpu.memory_space<hbm>> -> memref<128x128xf32, #tpu.memory_space<hbm>>
        %dma_wait3A_124 = arith.constant 0 : i32
        %dma_wait3A_125 = tpu.memref_slice %arg10[%run_scoped3A_67, %add3A_66, %dma_wait3A_124] : memref<4x12288x128xf32, #tpu.memory_space<hbm>> -> memref<1x128x128xf32, #tpu.memory_space<hbm>>
        %dma_wait3A_126 = tpu.memref_squeeze %dma_wait3A_125 : memref<1x128x128xf32, #tpu.memory_space<hbm>> -> memref<128x128xf32, #tpu.memory_space<hbm>>
        tpu.wait_dma2 semaphore(%run_scoped3A_116 : memref<!tpu.dma_semaphore, #tpu.memory_space<semaphore_mem>>) src(%run_scoped3A_19 : memref<128x128xf32, #tpu.memory_space<vmem>>) dst(%dma_wait3A_126 : memref<128x128xf32, #tpu.memory_space<hbm>>)
        tpu.yield
      }) : () -> ()
      %run_scoped3A_68 = arith.constant 6 : i32
      "tpu.region"() ({
        %run_scoped3A_116 = tpu.sem_alloc : memref<!tpu.dma_semaphore, #tpu.memory_space<semaphore_mem>>
        %dma_start3A = arith.constant 0 : i32
        %dma_start3A_117 = tpu.memref_slice %arg12[%run_scoped3A_68, %dma_start3A] : memref<12x128xi32, #tpu.memory_space<vmem>> -> memref<1x128xi32, #tpu.memory_space<vmem>>
        %dma_start3A_118 = tpu.memref_squeeze %dma_start3A_117 : memref<1x128xi32, #tpu.memory_space<vmem>> -> memref<128xi32, #tpu.memory_space<vmem>>
        %dma_start3A_119 = arith.constant 0 : i32
        %dma_start3A_120 = arith.constant 0 : i32
        %dma_start3A_121 = tpu.memref_slice %arg4[%dma_start3A_119, %dma_start3A_120] : memref<207016x128xf32, #tpu.memory_space<hbm>> -> memref<207016x128xf32, #tpu.memory_space<hbm>>
        tpu.enqueue_indirect_dma source(%dma_start3A_121 : memref<207016x128xf32, #tpu.memory_space<hbm>>) target(%run_scoped3A_19 : memref<128x128xf32, #tpu.memory_space<vmem>>) offsets(%dma_start3A_118 : memref<128xi32, #tpu.memory_space<vmem>>) semaphore(%run_scoped3A_116 : memref<!tpu.dma_semaphore, #tpu.memory_space<semaphore_mem>>)
        %dma_wait3A = arith.constant 0 : i32
        %dma_wait3A_122 = tpu.memref_slice %arg12[%run_scoped3A_68, %dma_wait3A] : memref<12x128xi32, #tpu.memory_space<vmem>> -> memref<1x128xi32, #tpu.memory_space<vmem>>
        %dma_wait3A_123 = tpu.memref_squeeze %dma_wait3A_122 : memref<1x128xi32, #tpu.memory_space<vmem>> -> memref<128xi32, #tpu.memory_space<vmem>>
        %dma_wait3A_124 = arith.constant 0 : i32
        %dma_wait3A_125 = arith.constant 0 : i32
        %dma_wait3A_126 = tpu.memref_slice %arg4[%dma_wait3A_124, %dma_wait3A_125] : memref<207016x128xf32, #tpu.memory_space<hbm>> -> memref<207016x128xf32, #tpu.memory_space<hbm>>
        tpu.wait_indirect_dma semaphore(%run_scoped3A_116 : memref<!tpu.dma_semaphore, #tpu.memory_space<semaphore_mem>>) src(%dma_wait3A_126 : memref<207016x128xf32, #tpu.memory_space<hbm>>) dst(%run_scoped3A_19 : memref<128x128xf32, #tpu.memory_space<vmem>>)
        tpu.yield
      }) : () -> ()
      %mul3A_69 = arith.constant 3 : i32
      %mul3A_70 = arith.muli %add3A, %mul3A_69 : i32
      %mul3A_71 = arith.constant 128 : i32
      %mul3A_72 = arith.muli %mul3A_70, %mul3A_71 : i32
      %add3A_73 = arith.constant 0 : i32
      %add3A_74 = arith.addi %mul3A_72, %add3A_73 : i32
      %run_scoped3A_75 = arith.constant 2 : i32
      "tpu.region"() ({
        %run_scoped3A_116 = tpu.sem_alloc : memref<!tpu.dma_semaphore, #tpu.memory_space<semaphore_mem>>
        %dma_start3A = arith.constant 0 : i32
        %dma_start3A_117 = tpu.memref_slice %arg10[%run_scoped3A_75, %add3A_74, %dma_start3A] : memref<4x12288x128xf32, #tpu.memory_space<hbm>> -> memref<1x128x128xf32, #tpu.memory_space<hbm>>
        %dma_start3A_118 = tpu.memref_squeeze %dma_start3A_117 : memref<1x128x128xf32, #tpu.memory_space<hbm>> -> memref<128x128xf32, #tpu.memory_space<hbm>>
        %dma_start3A_119 = arith.constant 0 : i32
        %dma_start3A_120 = tpu.memref_slice %arg10[%run_scoped3A_75, %add3A_74, %dma_start3A_119] : memref<4x12288x128xf32, #tpu.memory_space<hbm>> -> memref<1x128x128xf32, #tpu.memory_space<hbm>>
        %dma_start3A_121 = tpu.memref_squeeze %dma_start3A_120 : memref<1x128x128xf32, #tpu.memory_space<hbm>> -> memref<128x128xf32, #tpu.memory_space<hbm>>
        tpu.enqueue_dma source(%run_scoped3A_19 : memref<128x128xf32, #tpu.memory_space<vmem>>) target(%dma_start3A_121 : memref<128x128xf32, #tpu.memory_space<hbm>>) target_semaphore(%run_scoped3A_116 : memref<!tpu.dma_semaphore, #tpu.memory_space<semaphore_mem>>)
        %dma_wait3A = arith.constant 0 : i32
        %dma_wait3A_122 = tpu.memref_slice %arg10[%run_scoped3A_75, %add3A_74, %dma_wait3A] : memref<4x12288x128xf32, #tpu.memory_space<hbm>> -> memref<1x128x128xf32, #tpu.memory_space<hbm>>
        %dma_wait3A_123 = tpu.memref_squeeze %dma_wait3A_122 : memref<1x128x128xf32, #tpu.memory_space<hbm>> -> memref<128x128xf32, #tpu.memory_space<hbm>>
        %dma_wait3A_124 = arith.constant 0 : i32
        %dma_wait3A_125 = tpu.memref_slice %arg10[%run_scoped3A_75, %add3A_74, %dma_wait3A_124] : memref<4x12288x128xf32, #tpu.memory_space<hbm>> -> memref<1x128x128xf32, #tpu.memory_space<hbm>>
        %dma_wait3A_126 = tpu.memref_squeeze %dma_wait3A_125 : memref<1x128x128xf32, #tpu.memory_space<hbm>> -> memref<128x128xf32, #tpu.memory_space<hbm>>
        tpu.wait_dma2 semaphore(%run_scoped3A_116 : memref<!tpu.dma_semaphore, #tpu.memory_space<semaphore_mem>>) src(%run_scoped3A_19 : memref<128x128xf32, #tpu.memory_space<vmem>>) dst(%dma_wait3A_126 : memref<128x128xf32, #tpu.memory_space<hbm>>)
        tpu.yield
      }) : () -> ()
      %run_scoped3A_76 = arith.constant 7 : i32
      "tpu.region"() ({
        %run_scoped3A_116 = tpu.sem_alloc : memref<!tpu.dma_semaphore, #tpu.memory_space<semaphore_mem>>
        %dma_start3A = arith.constant 0 : i32
        %dma_start3A_117 = tpu.memref_slice %arg12[%run_scoped3A_76, %dma_start3A] : memref<12x128xi32, #tpu.memory_space<vmem>> -> memref<1x128xi32, #tpu.memory_space<vmem>>
        %dma_start3A_118 = tpu.memref_squeeze %dma_start3A_117 : memref<1x128xi32, #tpu.memory_space<vmem>> -> memref<128xi32, #tpu.memory_space<vmem>>
        %dma_start3A_119 = arith.constant 0 : i32
        %dma_start3A_120 = arith.constant 0 : i32
        %dma_start3A_121 = tpu.memref_slice %arg4[%dma_start3A_119, %dma_start3A_120] : memref<207016x128xf32, #tpu.memory_space<hbm>> -> memref<207016x128xf32, #tpu.memory_space<hbm>>
        tpu.enqueue_indirect_dma source(%dma_start3A_121 : memref<207016x128xf32, #tpu.memory_space<hbm>>) target(%run_scoped3A_19 : memref<128x128xf32, #tpu.memory_space<vmem>>) offsets(%dma_start3A_118 : memref<128xi32, #tpu.memory_space<vmem>>) semaphore(%run_scoped3A_116 : memref<!tpu.dma_semaphore, #tpu.memory_space<semaphore_mem>>)
        %dma_wait3A = arith.constant 0 : i32
        %dma_wait3A_122 = tpu.memref_slice %arg12[%run_scoped3A_76, %dma_wait3A] : memref<12x128xi32, #tpu.memory_space<vmem>> -> memref<1x128xi32, #tpu.memory_space<vmem>>
        %dma_wait3A_123 = tpu.memref_squeeze %dma_wait3A_122 : memref<1x128xi32, #tpu.memory_space<vmem>> -> memref<128xi32, #tpu.memory_space<vmem>>
        %dma_wait3A_124 = arith.constant 0 : i32
        %dma_wait3A_125 = arith.constant 0 : i32
        %dma_wait3A_126 = tpu.memref_slice %arg4[%dma_wait3A_124, %dma_wait3A_125] : memref<207016x128xf32, #tpu.memory_space<hbm>> -> memref<207016x128xf32, #tpu.memory_space<hbm>>
        tpu.wait_indirect_dma semaphore(%run_scoped3A_116 : memref<!tpu.dma_semaphore, #tpu.memory_space<semaphore_mem>>) src(%dma_wait3A_126 : memref<207016x128xf32, #tpu.memory_space<hbm>>) dst(%run_scoped3A_19 : memref<128x128xf32, #tpu.memory_space<vmem>>)
        tpu.yield
      }) : () -> ()
      %mul3A_77 = arith.constant 3 : i32
      %mul3A_78 = arith.muli %add3A, %mul3A_77 : i32
      %mul3A_79 = arith.constant 128 : i32
      %mul3A_80 = arith.muli %mul3A_78, %mul3A_79 : i32
      %add3A_81 = arith.constant 128 : i32
      %add3A_82 = arith.addi %mul3A_80, %add3A_81 : i32
      %run_scoped3A_83 = arith.constant 2 : i32
      "tpu.region"() ({
        %run_scoped3A_116 = tpu.sem_alloc : memref<!tpu.dma_semaphore, #tpu.memory_space<semaphore_mem>>
        %dma_start3A = arith.constant 0 : i32
        %dma_start3A_117 = tpu.memref_slice %arg10[%run_scoped3A_83, %add3A_82, %dma_start3A] : memref<4x12288x128xf32, #tpu.memory_space<hbm>> -> memref<1x128x128xf32, #tpu.memory_space<hbm>>
        %dma_start3A_118 = tpu.memref_squeeze %dma_start3A_117 : memref<1x128x128xf32, #tpu.memory_space<hbm>> -> memref<128x128xf32, #tpu.memory_space<hbm>>
        %dma_start3A_119 = arith.constant 0 : i32
        %dma_start3A_120 = tpu.memref_slice %arg10[%run_scoped3A_83, %add3A_82, %dma_start3A_119] : memref<4x12288x128xf32, #tpu.memory_space<hbm>> -> memref<1x128x128xf32, #tpu.memory_space<hbm>>
        %dma_start3A_121 = tpu.memref_squeeze %dma_start3A_120 : memref<1x128x128xf32, #tpu.memory_space<hbm>> -> memref<128x128xf32, #tpu.memory_space<hbm>>
        tpu.enqueue_dma source(%run_scoped3A_19 : memref<128x128xf32, #tpu.memory_space<vmem>>) target(%dma_start3A_121 : memref<128x128xf32, #tpu.memory_space<hbm>>) target_semaphore(%run_scoped3A_116 : memref<!tpu.dma_semaphore, #tpu.memory_space<semaphore_mem>>)
        %dma_wait3A = arith.constant 0 : i32
        %dma_wait3A_122 = tpu.memref_slice %arg10[%run_scoped3A_83, %add3A_82, %dma_wait3A] : memref<4x12288x128xf32, #tpu.memory_space<hbm>> -> memref<1x128x128xf32, #tpu.memory_space<hbm>>
        %dma_wait3A_123 = tpu.memref_squeeze %dma_wait3A_122 : memref<1x128x128xf32, #tpu.memory_space<hbm>> -> memref<128x128xf32, #tpu.memory_space<hbm>>
        %dma_wait3A_124 = arith.constant 0 : i32
        %dma_wait3A_125 = tpu.memref_slice %arg10[%run_scoped3A_83, %add3A_82, %dma_wait3A_124] : memref<4x12288x128xf32, #tpu.memory_space<hbm>> -> memref<1x128x128xf32, #tpu.memory_space<hbm>>
        %dma_wait3A_126 = tpu.memref_squeeze %dma_wait3A_125 : memref<1x128x128xf32, #tpu.memory_space<hbm>> -> memref<128x128xf32, #tpu.memory_space<hbm>>
        tpu.wait_dma2 semaphore(%run_scoped3A_116 : memref<!tpu.dma_semaphore, #tpu.memory_space<semaphore_mem>>) src(%run_scoped3A_19 : memref<128x128xf32, #tpu.memory_space<vmem>>) dst(%dma_wait3A_126 : memref<128x128xf32, #tpu.memory_space<hbm>>)
        tpu.yield
      }) : () -> ()
      %run_scoped3A_84 = arith.constant 8 : i32
      "tpu.region"() ({
        %run_scoped3A_116 = tpu.sem_alloc : memref<!tpu.dma_semaphore, #tpu.memory_space<semaphore_mem>>
        %dma_start3A = arith.constant 0 : i32
        %dma_start3A_117 = tpu.memref_slice %arg12[%run_scoped3A_84, %dma_start3A] : memref<12x128xi32, #tpu.memory_space<vmem>> -> memref<1x128xi32, #tpu.memory_space<vmem>>
        %dma_start3A_118 = tpu.memref_squeeze %dma_start3A_117 : memref<1x128xi32, #tpu.memory_space<vmem>> -> memref<128xi32, #tpu.memory_space<vmem>>
        %dma_start3A_119 = arith.constant 0 : i32
        %dma_start3A_120 = arith.constant 0 : i32
        %dma_start3A_121 = tpu.memref_slice %arg4[%dma_start3A_119, %dma_start3A_120] : memref<207016x128xf32, #tpu.memory_space<hbm>> -> memref<207016x128xf32, #tpu.memory_space<hbm>>
        tpu.enqueue_indirect_dma source(%dma_start3A_121 : memref<207016x128xf32, #tpu.memory_space<hbm>>) target(%run_scoped3A_19 : memref<128x128xf32, #tpu.memory_space<vmem>>) offsets(%dma_start3A_118 : memref<128xi32, #tpu.memory_space<vmem>>) semaphore(%run_scoped3A_116 : memref<!tpu.dma_semaphore, #tpu.memory_space<semaphore_mem>>)
        %dma_wait3A = arith.constant 0 : i32
        %dma_wait3A_122 = tpu.memref_slice %arg12[%run_scoped3A_84, %dma_wait3A] : memref<12x128xi32, #tpu.memory_space<vmem>> -> memref<1x128xi32, #tpu.memory_space<vmem>>
        %dma_wait3A_123 = tpu.memref_squeeze %dma_wait3A_122 : memref<1x128xi32, #tpu.memory_space<vmem>> -> memref<128xi32, #tpu.memory_space<vmem>>
        %dma_wait3A_124 = arith.constant 0 : i32
        %dma_wait3A_125 = arith.constant 0 : i32
        %dma_wait3A_126 = tpu.memref_slice %arg4[%dma_wait3A_124, %dma_wait3A_125] : memref<207016x128xf32, #tpu.memory_space<hbm>> -> memref<207016x128xf32, #tpu.memory_space<hbm>>
        tpu.wait_indirect_dma semaphore(%run_scoped3A_116 : memref<!tpu.dma_semaphore, #tpu.memory_space<semaphore_mem>>) src(%dma_wait3A_126 : memref<207016x128xf32, #tpu.memory_space<hbm>>) dst(%run_scoped3A_19 : memref<128x128xf32, #tpu.memory_space<vmem>>)
        tpu.yield
      }) : () -> ()
      %mul3A_85 = arith.constant 3 : i32
      %mul3A_86 = arith.muli %add3A, %mul3A_85 : i32
      %mul3A_87 = arith.constant 128 : i32
      %mul3A_88 = arith.muli %mul3A_86, %mul3A_87 : i32
      %add3A_89 = arith.constant 256 : i32
      %add3A_90 = arith.addi %mul3A_88, %add3A_89 : i32
      %run_scoped3A_91 = arith.constant 2 : i32
      "tpu.region"() ({
        %run_scoped3A_116 = tpu.sem_alloc : memref<!tpu.dma_semaphore, #tpu.memory_space<semaphore_mem>>
        %dma_start3A = arith.constant 0 : i32
        %dma_start3A_117 = tpu.memref_slice %arg10[%run_scoped3A_91, %add3A_90, %dma_start3A] : memref<4x12288x128xf32, #tpu.memory_space<hbm>> -> memref<1x128x128xf32, #tpu.memory_space<hbm>>
        %dma_start3A_118 = tpu.memref_squeeze %dma_start3A_117 : memref<1x128x128xf32, #tpu.memory_space<hbm>> -> memref<128x128xf32, #tpu.memory_space<hbm>>
        %dma_start3A_119 = arith.constant 0 : i32
        %dma_start3A_120 = tpu.memref_slice %arg10[%run_scoped3A_91, %add3A_90, %dma_start3A_119] : memref<4x12288x128xf32, #tpu.memory_space<hbm>> -> memref<1x128x128xf32, #tpu.memory_space<hbm>>
        %dma_start3A_121 = tpu.memref_squeeze %dma_start3A_120 : memref<1x128x128xf32, #tpu.memory_space<hbm>> -> memref<128x128xf32, #tpu.memory_space<hbm>>
        tpu.enqueue_dma source(%run_scoped3A_19 : memref<128x128xf32, #tpu.memory_space<vmem>>) target(%dma_start3A_121 : memref<128x128xf32, #tpu.memory_space<hbm>>) target_semaphore(%run_scoped3A_116 : memref<!tpu.dma_semaphore, #tpu.memory_space<semaphore_mem>>)
        %dma_wait3A = arith.constant 0 : i32
        %dma_wait3A_122 = tpu.memref_slice %arg10[%run_scoped3A_91, %add3A_90, %dma_wait3A] : memref<4x12288x128xf32, #tpu.memory_space<hbm>> -> memref<1x128x128xf32, #tpu.memory_space<hbm>>
        %dma_wait3A_123 = tpu.memref_squeeze %dma_wait3A_122 : memref<1x128x128xf32, #tpu.memory_space<hbm>> -> memref<128x128xf32, #tpu.memory_space<hbm>>
        %dma_wait3A_124 = arith.constant 0 : i32
        %dma_wait3A_125 = tpu.memref_slice %arg10[%run_scoped3A_91, %add3A_90, %dma_wait3A_124] : memref<4x12288x128xf32, #tpu.memory_space<hbm>> -> memref<1x128x128xf32, #tpu.memory_space<hbm>>
        %dma_wait3A_126 = tpu.memref_squeeze %dma_wait3A_125 : memref<1x128x128xf32, #tpu.memory_space<hbm>> -> memref<128x128xf32, #tpu.memory_space<hbm>>
        tpu.wait_dma2 semaphore(%run_scoped3A_116 : memref<!tpu.dma_semaphore, #tpu.memory_space<semaphore_mem>>) src(%run_scoped3A_19 : memref<128x128xf32, #tpu.memory_space<vmem>>) dst(%dma_wait3A_126 : memref<128x128xf32, #tpu.memory_space<hbm>>)
        tpu.yield
      }) : () -> ()
      %run_scoped3A_92 = arith.constant 9 : i32
      "tpu.region"() ({
        %run_scoped3A_116 = tpu.sem_alloc : memref<!tpu.dma_semaphore, #tpu.memory_space<semaphore_mem>>
        %dma_start3A = arith.constant 0 : i32
        %dma_start3A_117 = tpu.memref_slice %arg12[%run_scoped3A_92, %dma_start3A] : memref<12x128xi32, #tpu.memory_space<vmem>> -> memref<1x128xi32, #tpu.memory_space<vmem>>
        %dma_start3A_118 = tpu.memref_squeeze %dma_start3A_117 : memref<1x128xi32, #tpu.memory_space<vmem>> -> memref<128xi32, #tpu.memory_space<vmem>>
        %dma_start3A_119 = arith.constant 0 : i32
        %dma_start3A_120 = arith.constant 0 : i32
        %dma_start3A_121 = tpu.memref_slice %arg5[%dma_start3A_119, %dma_start3A_120] : memref<206978x128xf32, #tpu.memory_space<hbm>> -> memref<206978x128xf32, #tpu.memory_space<hbm>>
        tpu.enqueue_indirect_dma source(%dma_start3A_121 : memref<206978x128xf32, #tpu.memory_space<hbm>>) target(%run_scoped3A_19 : memref<128x128xf32, #tpu.memory_space<vmem>>) offsets(%dma_start3A_118 : memref<128xi32, #tpu.memory_space<vmem>>) semaphore(%run_scoped3A_116 : memref<!tpu.dma_semaphore, #tpu.memory_space<semaphore_mem>>)
        %dma_wait3A = arith.constant 0 : i32
        %dma_wait3A_122 = tpu.memref_slice %arg12[%run_scoped3A_92, %dma_wait3A] : memref<12x128xi32, #tpu.memory_space<vmem>> -> memref<1x128xi32, #tpu.memory_space<vmem>>
        %dma_wait3A_123 = tpu.memref_squeeze %dma_wait3A_122 : memref<1x128xi32, #tpu.memory_space<vmem>> -> memref<128xi32, #tpu.memory_space<vmem>>
        %dma_wait3A_124 = arith.constant 0 : i32
        %dma_wait3A_125 = arith.constant 0 : i32
        %dma_wait3A_126 = tpu.memref_slice %arg5[%dma_wait3A_124, %dma_wait3A_125] : memref<206978x128xf32, #tpu.memory_space<hbm>> -> memref<206978x128xf32, #tpu.memory_space<hbm>>
        tpu.wait_indirect_dma semaphore(%run_scoped3A_116 : memref<!tpu.dma_semaphore, #tpu.memory_space<semaphore_mem>>) src(%dma_wait3A_126 : memref<206978x128xf32, #tpu.memory_space<hbm>>) dst(%run_scoped3A_19 : memref<128x128xf32, #tpu.memory_space<vmem>>)
        tpu.yield
      }) : () -> ()
      %mul3A_93 = arith.constant 3 : i32
      %mul3A_94 = arith.muli %add3A, %mul3A_93 : i32
      %mul3A_95 = arith.constant 128 : i32
      %mul3A_96 = arith.muli %mul3A_94, %mul3A_95 : i32
      %add3A_97 = arith.constant 0 : i32
      %add3A_98 = arith.addi %mul3A_96, %add3A_97 : i32
      %run_scoped3A_99 = arith.constant 3 : i32
      "tpu.region"() ({
        %run_scoped3A_116 = tpu.sem_alloc : memref<!tpu.dma_semaphore, #tpu.memory_space<semaphore_mem>>
        %dma_start3A = arith.constant 0 : i32
        %dma_start3A_117 = tpu.memref_slice %arg10[%run_scoped3A_99, %add3A_98, %dma_start3A] : memref<4x12288x128xf32, #tpu.memory_space<hbm>> -> memref<1x128x128xf32, #tpu.memory_space<hbm>>
        %dma_start3A_118 = tpu.memref_squeeze %dma_start3A_117 : memref<1x128x128xf32, #tpu.memory_space<hbm>> -> memref<128x128xf32, #tpu.memory_space<hbm>>
        %dma_start3A_119 = arith.constant 0 : i32
        %dma_start3A_120 = tpu.memref_slice %arg10[%run_scoped3A_99, %add3A_98, %dma_start3A_119] : memref<4x12288x128xf32, #tpu.memory_space<hbm>> -> memref<1x128x128xf32, #tpu.memory_space<hbm>>
        %dma_start3A_121 = tpu.memref_squeeze %dma_start3A_120 : memref<1x128x128xf32, #tpu.memory_space<hbm>> -> memref<128x128xf32, #tpu.memory_space<hbm>>
        tpu.enqueue_dma source(%run_scoped3A_19 : memref<128x128xf32, #tpu.memory_space<vmem>>) target(%dma_start3A_121 : memref<128x128xf32, #tpu.memory_space<hbm>>) target_semaphore(%run_scoped3A_116 : memref<!tpu.dma_semaphore, #tpu.memory_space<semaphore_mem>>)
        %dma_wait3A = arith.constant 0 : i32
        %dma_wait3A_122 = tpu.memref_slice %arg10[%run_scoped3A_99, %add3A_98, %dma_wait3A] : memref<4x12288x128xf32, #tpu.memory_space<hbm>> -> memref<1x128x128xf32, #tpu.memory_space<hbm>>
        %dma_wait3A_123 = tpu.memref_squeeze %dma_wait3A_122 : memref<1x128x128xf32, #tpu.memory_space<hbm>> -> memref<128x128xf32, #tpu.memory_space<hbm>>
        %dma_wait3A_124 = arith.constant 0 : i32
        %dma_wait3A_125 = tpu.memref_slice %arg10[%run_scoped3A_99, %add3A_98, %dma_wait3A_124] : memref<4x12288x128xf32, #tpu.memory_space<hbm>> -> memref<1x128x128xf32, #tpu.memory_space<hbm>>
        %dma_wait3A_126 = tpu.memref_squeeze %dma_wait3A_125 : memref<1x128x128xf32, #tpu.memory_space<hbm>> -> memref<128x128xf32, #tpu.memory_space<hbm>>
        tpu.wait_dma2 semaphore(%run_scoped3A_116 : memref<!tpu.dma_semaphore, #tpu.memory_space<semaphore_mem>>) src(%run_scoped3A_19 : memref<128x128xf32, #tpu.memory_space<vmem>>) dst(%dma_wait3A_126 : memref<128x128xf32, #tpu.memory_space<hbm>>)
        tpu.yield
      }) : () -> ()
      %run_scoped3A_100 = arith.constant 10 : i32
      "tpu.region"() ({
        %run_scoped3A_116 = tpu.sem_alloc : memref<!tpu.dma_semaphore, #tpu.memory_space<semaphore_mem>>
        %dma_start3A = arith.constant 0 : i32
        %dma_start3A_117 = tpu.memref_slice %arg12[%run_scoped3A_100, %dma_start3A] : memref<12x128xi32, #tpu.memory_space<vmem>> -> memref<1x128xi32, #tpu.memory_space<vmem>>
        %dma_start3A_118 = tpu.memref_squeeze %dma_start3A_117 : memref<1x128xi32, #tpu.memory_space<vmem>> -> memref<128xi32, #tpu.memory_space<vmem>>
        %dma_start3A_119 = arith.constant 0 : i32
        %dma_start3A_120 = arith.constant 0 : i32
        %dma_start3A_121 = tpu.memref_slice %arg5[%dma_start3A_119, %dma_start3A_120] : memref<206978x128xf32, #tpu.memory_space<hbm>> -> memref<206978x128xf32, #tpu.memory_space<hbm>>
        tpu.enqueue_indirect_dma source(%dma_start3A_121 : memref<206978x128xf32, #tpu.memory_space<hbm>>) target(%run_scoped3A_19 : memref<128x128xf32, #tpu.memory_space<vmem>>) offsets(%dma_start3A_118 : memref<128xi32, #tpu.memory_space<vmem>>) semaphore(%run_scoped3A_116 : memref<!tpu.dma_semaphore, #tpu.memory_space<semaphore_mem>>)
        %dma_wait3A = arith.constant 0 : i32
        %dma_wait3A_122 = tpu.memref_slice %arg12[%run_scoped3A_100, %dma_wait3A] : memref<12x128xi32, #tpu.memory_space<vmem>> -> memref<1x128xi32, #tpu.memory_space<vmem>>
        %dma_wait3A_123 = tpu.memref_squeeze %dma_wait3A_122 : memref<1x128xi32, #tpu.memory_space<vmem>> -> memref<128xi32, #tpu.memory_space<vmem>>
        %dma_wait3A_124 = arith.constant 0 : i32
        %dma_wait3A_125 = arith.constant 0 : i32
        %dma_wait3A_126 = tpu.memref_slice %arg5[%dma_wait3A_124, %dma_wait3A_125] : memref<206978x128xf32, #tpu.memory_space<hbm>> -> memref<206978x128xf32, #tpu.memory_space<hbm>>
        tpu.wait_indirect_dma semaphore(%run_scoped3A_116 : memref<!tpu.dma_semaphore, #tpu.memory_space<semaphore_mem>>) src(%dma_wait3A_126 : memref<206978x128xf32, #tpu.memory_space<hbm>>) dst(%run_scoped3A_19 : memref<128x128xf32, #tpu.memory_space<vmem>>)
        tpu.yield
      }) : () -> ()
      %mul3A_101 = arith.constant 3 : i32
      %mul3A_102 = arith.muli %add3A, %mul3A_101 : i32
      %mul3A_103 = arith.constant 128 : i32
      %mul3A_104 = arith.muli %mul3A_102, %mul3A_103 : i32
      %add3A_105 = arith.constant 128 : i32
      %add3A_106 = arith.addi %mul3A_104, %add3A_105 : i32
      %run_scoped3A_107 = arith.constant 3 : i32
      "tpu.region"() ({
        %run_scoped3A_116 = tpu.sem_alloc : memref<!tpu.dma_semaphore, #tpu.memory_space<semaphore_mem>>
        %dma_start3A = arith.constant 0 : i32
        %dma_start3A_117 = tpu.memref_slice %arg10[%run_scoped3A_107, %add3A_106, %dma_start3A] : memref<4x12288x128xf32, #tpu.memory_space<hbm>> -> memref<1x128x128xf32, #tpu.memory_space<hbm>>
        %dma_start3A_118 = tpu.memref_squeeze %dma_start3A_117 : memref<1x128x128xf32, #tpu.memory_space<hbm>> -> memref<128x128xf32, #tpu.memory_space<hbm>>
        %dma_start3A_119 = arith.constant 0 : i32
        %dma_start3A_120 = tpu.memref_slice %arg10[%run_scoped3A_107, %add3A_106, %dma_start3A_119] : memref<4x12288x128xf32, #tpu.memory_space<hbm>> -> memref<1x128x128xf32, #tpu.memory_space<hbm>>
        %dma_start3A_121 = tpu.memref_squeeze %dma_start3A_120 : memref<1x128x128xf32, #tpu.memory_space<hbm>> -> memref<128x128xf32, #tpu.memory_space<hbm>>
        tpu.enqueue_dma source(%run_scoped3A_19 : memref<128x128xf32, #tpu.memory_space<vmem>>) target(%dma_start3A_121 : memref<128x128xf32, #tpu.memory_space<hbm>>) target_semaphore(%run_scoped3A_116 : memref<!tpu.dma_semaphore, #tpu.memory_space<semaphore_mem>>)
        %dma_wait3A = arith.constant 0 : i32
        %dma_wait3A_122 = tpu.memref_slice %arg10[%run_scoped3A_107, %add3A_106, %dma_wait3A] : memref<4x12288x128xf32, #tpu.memory_space<hbm>> -> memref<1x128x128xf32, #tpu.memory_space<hbm>>
        %dma_wait3A_123 = tpu.memref_squeeze %dma_wait3A_122 : memref<1x128x128xf32, #tpu.memory_space<hbm>> -> memref<128x128xf32, #tpu.memory_space<hbm>>
        %dma_wait3A_124 = arith.constant 0 : i32
        %dma_wait3A_125 = tpu.memref_slice %arg10[%run_scoped3A_107, %add3A_106, %dma_wait3A_124] : memref<4x12288x128xf32, #tpu.memory_space<hbm>> -> memref<1x128x128xf32, #tpu.memory_space<hbm>>
        %dma_wait3A_126 = tpu.memref_squeeze %dma_wait3A_125 : memref<1x128x128xf32, #tpu.memory_space<hbm>> -> memref<128x128xf32, #tpu.memory_space<hbm>>
        tpu.wait_dma2 semaphore(%run_scoped3A_116 : memref<!tpu.dma_semaphore, #tpu.memory_space<semaphore_mem>>) src(%run_scoped3A_19 : memref<128x128xf32, #tpu.memory_space<vmem>>) dst(%dma_wait3A_126 : memref<128x128xf32, #tpu.memory_space<hbm>>)
        tpu.yield
      }) : () -> ()
      %run_scoped3A_108 = arith.constant 11 : i32
      "tpu.region"() ({
        %run_scoped3A_116 = tpu.sem_alloc : memref<!tpu.dma_semaphore, #tpu.memory_space<semaphore_mem>>
        %dma_start3A = arith.constant 0 : i32
        %dma_start3A_117 = tpu.memref_slice %arg12[%run_scoped3A_108, %dma_start3A] : memref<12x128xi32, #tpu.memory_space<vmem>> -> memref<1x128xi32, #tpu.memory_space<vmem>>
        %dma_start3A_118 = tpu.memref_squeeze %dma_start3A_117 : memref<1x128xi32, #tpu.memory_space<vmem>> -> memref<128xi32, #tpu.memory_space<vmem>>
        %dma_start3A_119 = arith.constant 0 : i32
        %dma_start3A_120 = arith.constant 0 : i32
        %dma_start3A_121 = tpu.memref_slice %arg5[%dma_start3A_119, %dma_start3A_120] : memref<206978x128xf32, #tpu.memory_space<hbm>> -> memref<206978x128xf32, #tpu.memory_space<hbm>>
        tpu.enqueue_indirect_dma source(%dma_start3A_121 : memref<206978x128xf32, #tpu.memory_space<hbm>>) target(%run_scoped3A_19 : memref<128x128xf32, #tpu.memory_space<vmem>>) offsets(%dma_start3A_118 : memref<128xi32, #tpu.memory_space<vmem>>) semaphore(%run_scoped3A_116 : memref<!tpu.dma_semaphore, #tpu.memory_space<semaphore_mem>>)
        %dma_wait3A = arith.constant 0 : i32
        %dma_wait3A_122 = tpu.memref_slice %arg12[%run_scoped3A_108, %dma_wait3A] : memref<12x128xi32, #tpu.memory_space<vmem>> -> memref<1x128xi32, #tpu.memory_space<vmem>>
        %dma_wait3A_123 = tpu.memref_squeeze %dma_wait3A_122 : memref<1x128xi32, #tpu.memory_space<vmem>> -> memref<128xi32, #tpu.memory_space<vmem>>
        %dma_wait3A_124 = arith.constant 0 : i32
        %dma_wait3A_125 = arith.constant 0 : i32
        %dma_wait3A_126 = tpu.memref_slice %arg5[%dma_wait3A_124, %dma_wait3A_125] : memref<206978x128xf32, #tpu.memory_space<hbm>> -> memref<206978x128xf32, #tpu.memory_space<hbm>>
        tpu.wait_indirect_dma semaphore(%run_scoped3A_116 : memref<!tpu.dma_semaphore, #tpu.memory_space<semaphore_mem>>) src(%dma_wait3A_126 : memref<206978x128xf32, #tpu.memory_space<hbm>>) dst(%run_scoped3A_19 : memref<128x128xf32, #tpu.memory_space<vmem>>)
        tpu.yield
      }) : () -> ()
      %mul3A_109 = arith.constant 3 : i32
      %mul3A_110 = arith.muli %add3A, %mul3A_109 : i32
      %mul3A_111 = arith.constant 128 : i32
      %mul3A_112 = arith.muli %mul3A_110, %mul3A_111 : i32
      %add3A_113 = arith.constant 256 : i32
      %add3A_114 = arith.addi %mul3A_112, %add3A_113 : i32
      %run_scoped3A_115 = arith.constant 3 : i32
      "tpu.region"() ({
        %run_scoped3A_116 = tpu.sem_alloc : memref<!tpu.dma_semaphore, #tpu.memory_space<semaphore_mem>>
        %dma_start3A = arith.constant 0 : i32
        %dma_start3A_117 = tpu.memref_slice %arg10[%run_scoped3A_115, %add3A_114, %dma_start3A] : memref<4x12288x128xf32, #tpu.memory_space<hbm>> -> memref<1x128x128xf32, #tpu.memory_space<hbm>>
        %dma_start3A_118 = tpu.memref_squeeze %dma_start3A_117 : memref<1x128x128xf32, #tpu.memory_space<hbm>> -> memref<128x128xf32, #tpu.memory_space<hbm>>
        %dma_start3A_119 = arith.constant 0 : i32
        %dma_start3A_120 = tpu.memref_slice %arg10[%run_scoped3A_115, %add3A_114, %dma_start3A_119] : memref<4x12288x128xf32, #tpu.memory_space<hbm>> -> memref<1x128x128xf32, #tpu.memory_space<hbm>>
        %dma_start3A_121 = tpu.memref_squeeze %dma_start3A_120 : memref<1x128x128xf32, #tpu.memory_space<hbm>> -> memref<128x128xf32, #tpu.memory_space<hbm>>
        tpu.enqueue_dma source(%run_scoped3A_19 : memref<128x128xf32, #tpu.memory_space<vmem>>) target(%dma_start3A_121 : memref<128x128xf32, #tpu.memory_space<hbm>>) target_semaphore(%run_scoped3A_116 : memref<!tpu.dma_semaphore, #tpu.memory_space<semaphore_mem>>)
        %dma_wait3A = arith.constant 0 : i32
        %dma_wait3A_122 = tpu.memref_slice %arg10[%run_scoped3A_115, %add3A_114, %dma_wait3A] : memref<4x12288x128xf32, #tpu.memory_space<hbm>> -> memref<1x128x128xf32, #tpu.memory_space<hbm>>
        %dma_wait3A_123 = tpu.memref_squeeze %dma_wait3A_122 : memref<1x128x128xf32, #tpu.memory_space<hbm>> -> memref<128x128xf32, #tpu.memory_space<hbm>>
        %dma_wait3A_124 = arith.constant 0 : i32
        %dma_wait3A_125 = tpu.memref_slice %arg10[%run_scoped3A_115, %add3A_114, %dma_wait3A_124] : memref<4x12288x128xf32, #tpu.memory_space<hbm>> -> memref<1x128x128xf32, #tpu.memory_space<hbm>>
        %dma_wait3A_126 = tpu.memref_squeeze %dma_wait3A_125 : memref<1x128x128xf32, #tpu.memory_space<hbm>> -> memref<128x128xf32, #tpu.memory_space<hbm>>
        tpu.wait_dma2 semaphore(%run_scoped3A_116 : memref<!tpu.dma_semaphore, #tpu.memory_space<semaphore_mem>>) src(%run_scoped3A_19 : memref<128x128xf32, #tpu.memory_space<vmem>>) dst(%dma_wait3A_126 : memref<128x128xf32, #tpu.memory_space<hbm>>)
        tpu.yield
      }) : () -> ()
      tpu.yield
    }) : () -> ()
    %barrier3A_13 = arith.constant 0 : index
    tpu.barrier barrier_id(%barrier3A_13)
    %lt3A_14 = arith.constant 12 : i32
    %lt3A_15 = arith.cmpi slt, %arg1, %lt3A_14 : i32
    %convert_element_type3A_16 = arith.extui %lt3A_15 : i1 to i32
    %cond3A_17 = arith.constant 0 : i32
    %cond3A_18 = arith.cmpi ne, %convert_element_type3A_16, %cond3A_17 : i32
    scf.if %cond3A_18 {
      %mul3A_19 = arith.constant 8 : i32
      %mul3A_20 = arith.muli %arg1, %mul3A_19 : i32
      %mul3A_21 = arith.constant 8 : i32
      %mul3A_22 = arith.muli %arg1, %mul3A_21 : i32
      "tpu.region"() ({
        %run_scoped3A_23 = tpu.sem_alloc : memref<!tpu.dma_semaphore, #tpu.memory_space<semaphore_mem>>
        %dma_start3A = arith.constant 0 : i32
        %dma_start3A_24 = tpu.memref_slice %arg11[%arg0, %mul3A_22, %dma_start3A] : memref<2x96x128xf32, #tpu.memory_space<hbm>> -> memref<1x8x128xf32, #tpu.memory_space<hbm>>
        %dma_start3A_25 = tpu.memref_squeeze %dma_start3A_24 : memref<1x8x128xf32, #tpu.memory_space<hbm>> -> memref<8x128xf32, #tpu.memory_space<hbm>>
        %dma_start3A_26 = arith.constant 0 : i32
        %dma_start3A_27 = tpu.memref_slice %arg16[%mul3A_20, %dma_start3A_26] : memref<96x128xf32, #tpu.memory_space<vmem_shared>> -> memref<8x128xf32, #tpu.memory_space<vmem_shared>>
        tpu.enqueue_dma source(%dma_start3A_27 : memref<8x128xf32, #tpu.memory_space<vmem_shared>>) target(%dma_start3A_25 : memref<8x128xf32, #tpu.memory_space<hbm>>) target_semaphore(%run_scoped3A_23 : memref<!tpu.dma_semaphore, #tpu.memory_space<semaphore_mem>>)
        %dma_wait3A = arith.constant 0 : i32
        %dma_wait3A_28 = tpu.memref_slice %arg11[%arg0, %mul3A_22, %dma_wait3A] : memref<2x96x128xf32, #tpu.memory_space<hbm>> -> memref<1x8x128xf32, #tpu.memory_space<hbm>>
        %dma_wait3A_29 = tpu.memref_squeeze %dma_wait3A_28 : memref<1x8x128xf32, #tpu.memory_space<hbm>> -> memref<8x128xf32, #tpu.memory_space<hbm>>
        %dma_wait3A_30 = arith.constant 0 : i32
        %dma_wait3A_31 = tpu.memref_slice %arg16[%mul3A_20, %dma_wait3A_30] : memref<96x128xf32, #tpu.memory_space<vmem_shared>> -> memref<8x128xf32, #tpu.memory_space<vmem_shared>>
        tpu.wait_dma2 semaphore(%run_scoped3A_23 : memref<!tpu.dma_semaphore, #tpu.memory_space<semaphore_mem>>) src(%dma_wait3A_31 : memref<8x128xf32, #tpu.memory_space<vmem_shared>>) dst(%dma_wait3A_29 : memref<8x128xf32, #tpu.memory_space<hbm>>)
        tpu.yield
      }) : () -> ()
    } else {
    }
    return
  }
}

#map = affine_map<(d0, d1) -> (0, 0)>
#map1 = affine_map<(d0, d1) -> (0, 0, 0)>
module attributes {stable_mosaic.version = 14 : i64} {
  func.func @_k3_body(%arg0: i32, %arg1: i32, %arg2: memref<12288x128xf32, #tpu.memory_space<hbm>>, %arg3: memref<32x80x128xi32, #tpu.memory_space<hbm>>, %arg4: memref<32x80x128xi32, #tpu.memory_space<hbm>>, %arg5: memref<2x10240x128xf32, #tpu.memory_space<hbm>>, %arg6: memref<40x128xi32, #tpu.memory_space<vmem>>, %arg7: memref<40x128xi32, #tpu.memory_space<vmem>>, %arg8: memref<10240x128xf32, #tpu.memory_space<vmem_shared>>) attributes {dimension_semantics = [#tpu.dimension_semantics<core_parallel>, #tpu.dimension_semantics<subcore_parallel>], iteration_bounds = array<i64: 2, 16>, scalar_prefetch = 0 : i64, scratch_operands = 3 : i64, tpu.core_type = #tpu.core_type<sc_vector_subcore>, window_params = [{transform_indices = #map}, {transform_indices = #map1}, {transform_indices = #map1}, {transform_indices = #map1}]} {
    %mul3A = arith.constant 16 : i32
    %mul3A_0 = arith.muli %arg0, %mul3A : i32
    %add3A = arith.addi %mul3A_0, %arg1 : i32
    "tpu.region"() ({
      %run_scoped3A = memref.alloca() : memref<128x128xf32, #tpu.memory_space<vmem>>
      %scan3A = arith.constant 0 : i32
      %scan3A_1 = arith.constant 128 : i32
      %scan3A_2 = arith.addi %scan3A, %scan3A_1 : i32
      %scan3A_3 = arith.constant 1 : i32
      scf.for %scan3A_26 = %scan3A to %scan3A_2 step %scan3A_3  : i32 {
        %mul3A_27 = arith.constant 1 : i32
        %mul3A_28 = arith.muli %scan3A_26, %mul3A_27 : i32
        %add3A_29 = arith.constant 0 : i32
        %add3A_30 = arith.addi %add3A_29, %mul3A_28 : i32
        %broadcast_in_dim3A = arith.constant 0.000000e+00 : f32
        %broadcast_in_dim3A_31 = vector.broadcast %broadcast_in_dim3A : f32 to vector<16xf32>
        %swap3A = arith.index_cast %add3A_30 : i32 to index
        %swap3A_32 = arith.constant 0 : index
        %swap3A_33 = tpu.vector_load %run_scoped3A[%swap3A, %swap3A_32] {strides = array<i32>} : memref<128x128xf32, #tpu.memory_space<vmem>>, vector<1x16xf32>,
        %swap3A_34 = vector.shape_cast %swap3A_33 : vector<1x16xf32> to vector<16xf32>
        %swap3A_35 = vector.shape_cast %broadcast_in_dim3A_31 : vector<16xf32> to vector<1x16xf32>
        tpu.vector_store %run_scoped3A[%swap3A, %swap3A_32], %swap3A_35 {strides = array<i32>} : memref<128x128xf32, #tpu.memory_space<vmem>>, vector<1x16xf32>,
        %broadcast_in_dim3A_36 = arith.constant 0.000000e+00 : f32
        %broadcast_in_dim3A_37 = vector.broadcast %broadcast_in_dim3A_36 : f32 to vector<16xf32>
        %swap3A_38 = arith.index_cast %add3A_30 : i32 to index
        %swap3A_39 = arith.constant 16 : index
        %swap3A_40 = tpu.vector_load %run_scoped3A[%swap3A_38, %swap3A_39] {strides = array<i32>} : memref<128x128xf32, #tpu.memory_space<vmem>>, vector<1x16xf32>,
        %swap3A_41 = vector.shape_cast %swap3A_40 : vector<1x16xf32> to vector<16xf32>
        %swap3A_42 = vector.shape_cast %broadcast_in_dim3A_37 : vector<16xf32> to vector<1x16xf32>
        tpu.vector_store %run_scoped3A[%swap3A_38, %swap3A_39], %swap3A_42 {strides = array<i32>} : memref<128x128xf32, #tpu.memory_space<vmem>>, vector<1x16xf32>,
        %broadcast_in_dim3A_43 = arith.constant 0.000000e+00 : f32
        %broadcast_in_dim3A_44 = vector.broadcast %broadcast_in_dim3A_43 : f32 to vector<16xf32>
        %swap3A_45 = arith.index_cast %add3A_30 : i32 to index
        %swap3A_46 = arith.constant 32 : index
        %swap3A_47 = tpu.vector_load %run_scoped3A[%swap3A_45, %swap3A_46] {strides = array<i32>} : memref<128x128xf32, #tpu.memory_space<vmem>>, vector<1x16xf32>,
        %swap3A_48 = vector.shape_cast %swap3A_47 : vector<1x16xf32> to vector<16xf32>
        %swap3A_49 = vector.shape_cast %broadcast_in_dim3A_44 : vector<16xf32> to vector<1x16xf32>
        tpu.vector_store %run_scoped3A[%swap3A_45, %swap3A_46], %swap3A_49 {strides = array<i32>} : memref<128x128xf32, #tpu.memory_space<vmem>>, vector<1x16xf32>,
        %broadcast_in_dim3A_50 = arith.constant 0.000000e+00 : f32
        %broadcast_in_dim3A_51 = vector.broadcast %broadcast_in_dim3A_50 : f32 to vector<16xf32>
        %swap3A_52 = arith.index_cast %add3A_30 : i32 to index
        %swap3A_53 = arith.constant 48 : index
        %swap3A_54 = tpu.vector_load %run_scoped3A[%swap3A_52, %swap3A_53] {strides = array<i32>} : memref<128x128xf32, #tpu.memory_space<vmem>>, vector<1x16xf32>,
        %swap3A_55 = vector.shape_cast %swap3A_54 : vector<1x16xf32> to vector<16xf32>
        %swap3A_56 = vector.shape_cast %broadcast_in_dim3A_51 : vector<16xf32> to vector<1x16xf32>
        tpu.vector_store %run_scoped3A[%swap3A_52, %swap3A_53], %swap3A_56 {strides = array<i32>} : memref<128x128xf32, #tpu.memory_space<vmem>>, vector<1x16xf32>,
        %broadcast_in_dim3A_57 = arith.constant 0.000000e+00 : f32
        %broadcast_in_dim3A_58 = vector.broadcast %broadcast_in_dim3A_57 : f32 to vector<16xf32>
        %swap3A_59 = arith.index_cast %add3A_30 : i32 to index
        %swap3A_60 = arith.constant 64 : index
        %swap3A_61 = tpu.vector_load %run_scoped3A[%swap3A_59, %swap3A_60] {strides = array<i32>} : memref<128x128xf32, #tpu.memory_space<vmem>>, vector<1x16xf32>,
        %swap3A_62 = vector.shape_cast %swap3A_61 : vector<1x16xf32> to vector<16xf32>
        %swap3A_63 = vector.shape_cast %broadcast_in_dim3A_58 : vector<16xf32> to vector<1x16xf32>
        tpu.vector_store %run_scoped3A[%swap3A_59, %swap3A_60], %swap3A_63 {strides = array<i32>} : memref<128x128xf32, #tpu.memory_space<vmem>>, vector<1x16xf32>,
        %broadcast_in_dim3A_64 = arith.constant 0.000000e+00 : f32
        %broadcast_in_dim3A_65 = vector.broadcast %broadcast_in_dim3A_64 : f32 to vector<16xf32>
        %swap3A_66 = arith.index_cast %add3A_30 : i32 to index
        %swap3A_67 = arith.constant 80 : index
        %swap3A_68 = tpu.vector_load %run_scoped3A[%swap3A_66, %swap3A_67] {strides = array<i32>} : memref<128x128xf32, #tpu.memory_space<vmem>>, vector<1x16xf32>,
        %swap3A_69 = vector.shape_cast %swap3A_68 : vector<1x16xf32> to vector<16xf32>
        %swap3A_70 = vector.shape_cast %broadcast_in_dim3A_65 : vector<16xf32> to vector<1x16xf32>
        tpu.vector_store %run_scoped3A[%swap3A_66, %swap3A_67], %swap3A_70 {strides = array<i32>} : memref<128x128xf32, #tpu.memory_space<vmem>>, vector<1x16xf32>,
        %broadcast_in_dim3A_71 = arith.constant 0.000000e+00 : f32
        %broadcast_in_dim3A_72 = vector.broadcast %broadcast_in_dim3A_71 : f32 to vector<16xf32>
        %swap3A_73 = arith.index_cast %add3A_30 : i32 to index
        %swap3A_74 = arith.constant 96 : index
        %swap3A_75 = tpu.vector_load %run_scoped3A[%swap3A_73, %swap3A_74] {strides = array<i32>} : memref<128x128xf32, #tpu.memory_space<vmem>>, vector<1x16xf32>,
        %swap3A_76 = vector.shape_cast %swap3A_75 : vector<1x16xf32> to vector<16xf32>
        %swap3A_77 = vector.shape_cast %broadcast_in_dim3A_72 : vector<16xf32> to vector<1x16xf32>
        tpu.vector_store %run_scoped3A[%swap3A_73, %swap3A_74], %swap3A_77 {strides = array<i32>} : memref<128x128xf32, #tpu.memory_space<vmem>>, vector<1x16xf32>,
        %broadcast_in_dim3A_78 = arith.constant 0.000000e+00 : f32
        %broadcast_in_dim3A_79 = vector.broadcast %broadcast_in_dim3A_78 : f32 to vector<16xf32>
        %swap3A_80 = arith.index_cast %add3A_30 : i32 to index
        %swap3A_81 = arith.constant 112 : index
        %swap3A_82 = tpu.vector_load %run_scoped3A[%swap3A_80, %swap3A_81] {strides = array<i32>} : memref<128x128xf32, #tpu.memory_space<vmem>>, vector<1x16xf32>,
        %swap3A_83 = vector.shape_cast %swap3A_82 : vector<1x16xf32> to vector<16xf32>
        %swap3A_84 = vector.shape_cast %broadcast_in_dim3A_79 : vector<16xf32> to vector<1x16xf32>
        tpu.vector_store %run_scoped3A[%swap3A_80, %swap3A_81], %swap3A_84 {strides = array<i32>} : memref<128x128xf32, #tpu.memory_space<vmem>>, vector<1x16xf32>,
      }
      %scan3A_4 = arith.constant 128 : i32
      %eq3A = arith.constant 0 : i32
      %eq3A_5 = arith.cmpi eq, %arg0, %eq3A : i32
      %convert_element_type3A = arith.extui %eq3A_5 : i1 to i32
      %cond3A = arith.constant 0 : i32
      %cond3A_6 = arith.cmpi ne, %convert_element_type3A, %cond3A : i32
      scf.if %cond3A_6 {
        %mul3A_26 = arith.constant 640 : i32
        %mul3A_27 = arith.muli %arg1, %mul3A_26 : i32
        %mul3A_28 = arith.constant 640 : i32
        %mul3A_29 = arith.muli %arg1, %mul3A_28 : i32
        "tpu.region"() ({
          %run_scoped3A_30 = tpu.sem_alloc : memref<!tpu.dma_semaphore, #tpu.memory_space<semaphore_mem>>
          %dma_start3A = arith.constant 0 : i32
          %dma_start3A_31 = tpu.memref_slice %arg8[%mul3A_29, %dma_start3A] : memref<10240x128xf32, #tpu.memory_space<vmem_shared>> -> memref<640x128xf32, #tpu.memory_space<vmem_shared>>
          %dma_start3A_32 = arith.constant 0 : i32
          %dma_start3A_33 = tpu.memref_slice %arg2[%mul3A_27, %dma_start3A_32] : memref<12288x128xf32, #tpu.memory_space<hbm>> -> memref<640x128xf32, #tpu.memory_space<hbm>>
          tpu.enqueue_dma source(%dma_start3A_33 : memref<640x128xf32, #tpu.memory_space<hbm>>) target(%dma_start3A_31 : memref<640x128xf32, #tpu.memory_space<vmem_shared>>) target_semaphore(%run_scoped3A_30 : memref<!tpu.dma_semaphore, #tpu.memory_space<semaphore_mem>>)
          %dma_wait3A = arith.constant 0 : i32
          %dma_wait3A_34 = tpu.memref_slice %arg8[%mul3A_29, %dma_wait3A] : memref<10240x128xf32, #tpu.memory_space<vmem_shared>> -> memref<640x128xf32, #tpu.memory_space<vmem_shared>>
          %dma_wait3A_35 = arith.constant 0 : i32
          %dma_wait3A_36 = tpu.memref_slice %arg2[%mul3A_27, %dma_wait3A_35] : memref<12288x128xf32, #tpu.memory_space<hbm>> -> memref<640x128xf32, #tpu.memory_space<hbm>>
          tpu.wait_dma2 semaphore(%run_scoped3A_30 : memref<!tpu.dma_semaphore, #tpu.memory_space<semaphore_mem>>) src(%dma_wait3A_36 : memref<640x128xf32, #tpu.memory_space<hbm>>) dst(%dma_wait3A_34 : memref<640x128xf32, #tpu.memory_space<vmem_shared>>)
          tpu.yield
        }) : () -> ()
      } else {
      }
      %ne3A = arith.constant 0 : i32
      %ne3A_7 = arith.cmpi ne, %arg0, %ne3A : i32
      %convert_element_type3A_8 = arith.extui %ne3A_7 : i1 to i32
      %cond3A_9 = arith.constant 0 : i32
      %cond3A_10 = arith.cmpi ne, %convert_element_type3A_8, %cond3A_9 : i32
      scf.if %cond3A_10 {
        %mul3A_26 = arith.constant 640 : i32
        %mul3A_27 = arith.muli %arg1, %mul3A_26 : i32
        %add3A_28 = arith.constant 0 : i32
        %add3A_29 = arith.addi %mul3A_27, %add3A_28 : i32
        "tpu.region"() ({
          %run_scoped3A_46 = tpu.sem_alloc : memref<!tpu.dma_semaphore, #tpu.memory_space<semaphore_mem>>
          %dma_start3A = arith.constant 0 : i32
          %dma_start3A_47 = tpu.memref_slice %arg8[%add3A_29, %dma_start3A] : memref<10240x128xf32, #tpu.memory_space<vmem_shared>> -> memref<128x128xf32, #tpu.memory_space<vmem_shared>>
          %dma_start3A_48 = arith.constant 0 : i32
          %dma_start3A_49 = tpu.memref_slice %arg8[%add3A_29, %dma_start3A_48] : memref<10240x128xf32, #tpu.memory_space<vmem_shared>> -> memref<128x128xf32, #tpu.memory_space<vmem_shared>>
          tpu.enqueue_dma source(%run_scoped3A : memref<128x128xf32, #tpu.memory_space<vmem>>) target(%dma_start3A_49 : memref<128x128xf32, #tpu.memory_space<vmem_shared>>) target_semaphore(%run_scoped3A_46 : memref<!tpu.dma_semaphore, #tpu.memory_space<semaphore_mem>>)
          %dma_wait3A = arith.constant 0 : i32
          %dma_wait3A_50 = tpu.memref_slice %arg8[%add3A_29, %dma_wait3A] : memref<10240x128xf32, #tpu.memory_space<vmem_shared>> -> memref<128x128xf32, #tpu.memory_space<vmem_shared>>
          %dma_wait3A_51 = arith.constant 0 : i32
          %dma_wait3A_52 = tpu.memref_slice %arg8[%add3A_29, %dma_wait3A_51] : memref<10240x128xf32, #tpu.memory_space<vmem_shared>> -> memref<128x128xf32, #tpu.memory_space<vmem_shared>>
          tpu.wait_dma2 semaphore(%run_scoped3A_46 : memref<!tpu.dma_semaphore, #tpu.memory_space<semaphore_mem>>) src(%run_scoped3A : memref<128x128xf32, #tpu.memory_space<vmem>>) dst(%dma_wait3A_52 : memref<128x128xf32, #tpu.memory_space<vmem_shared>>)
          tpu.yield
        }) : () -> ()
        %mul3A_30 = arith.constant 640 : i32
        %mul3A_31 = arith.muli %arg1, %mul3A_30 : i32
        %add3A_32 = arith.constant 128 : i32
        %add3A_33 = arith.addi %mul3A_31, %add3A_32 : i32
        "tpu.region"() ({
          %run_scoped3A_46 = tpu.sem_alloc : memref<!tpu.dma_semaphore, #tpu.memory_space<semaphore_mem>>
          %dma_start3A = arith.constant 0 : i32
          %dma_start3A_47 = tpu.memref_slice %arg8[%add3A_33, %dma_start3A] : memref<10240x128xf32, #tpu.memory_space<vmem_shared>> -> memref<128x128xf32, #tpu.memory_space<vmem_shared>>
          %dma_start3A_48 = arith.constant 0 : i32
          %dma_start3A_49 = tpu.memref_slice %arg8[%add3A_33, %dma_start3A_48] : memref<10240x128xf32, #tpu.memory_space<vmem_shared>> -> memref<128x128xf32, #tpu.memory_space<vmem_shared>>
          tpu.enqueue_dma source(%run_scoped3A : memref<128x128xf32, #tpu.memory_space<vmem>>) target(%dma_start3A_49 : memref<128x128xf32, #tpu.memory_space<vmem_shared>>) target_semaphore(%run_scoped3A_46 : memref<!tpu.dma_semaphore, #tpu.memory_space<semaphore_mem>>)
          %dma_wait3A = arith.constant 0 : i32
          %dma_wait3A_50 = tpu.memref_slice %arg8[%add3A_33, %dma_wait3A] : memref<10240x128xf32, #tpu.memory_space<vmem_shared>> -> memref<128x128xf32, #tpu.memory_space<vmem_shared>>
          %dma_wait3A_51 = arith.constant 0 : i32
          %dma_wait3A_52 = tpu.memref_slice %arg8[%add3A_33, %dma_wait3A_51] : memref<10240x128xf32, #tpu.memory_space<vmem_shared>> -> memref<128x128xf32, #tpu.memory_space<vmem_shared>>
          tpu.wait_dma2 semaphore(%run_scoped3A_46 : memref<!tpu.dma_semaphore, #tpu.memory_space<semaphore_mem>>) src(%run_scoped3A : memref<128x128xf32, #tpu.memory_space<vmem>>) dst(%dma_wait3A_52 : memref<128x128xf32, #tpu.memory_space<vmem_shared>>)
          tpu.yield
        }) : () -> ()
        %mul3A_34 = arith.constant 640 : i32
        %mul3A_35 = arith.muli %arg1, %mul3A_34 : i32
        %add3A_36 = arith.constant 256 : i32
        %add3A_37 = arith.addi %mul3A_35, %add3A_36 : i32
        "tpu.region"() ({
          %run_scoped3A_46 = tpu.sem_alloc : memref<!tpu.dma_semaphore, #tpu.memory_space<semaphore_mem>>
          %dma_start3A = arith.constant 0 : i32
          %dma_start3A_47 = tpu.memref_slice %arg8[%add3A_37, %dma_start3A] : memref<10240x128xf32, #tpu.memory_space<vmem_shared>> -> memref<128x128xf32, #tpu.memory_space<vmem_shared>>
          %dma_start3A_48 = arith.constant 0 : i32
          %dma_start3A_49 = tpu.memref_slice %arg8[%add3A_37, %dma_start3A_48] : memref<10240x128xf32, #tpu.memory_space<vmem_shared>> -> memref<128x128xf32, #tpu.memory_space<vmem_shared>>
          tpu.enqueue_dma source(%run_scoped3A : memref<128x128xf32, #tpu.memory_space<vmem>>) target(%dma_start3A_49 : memref<128x128xf32, #tpu.memory_space<vmem_shared>>) target_semaphore(%run_scoped3A_46 : memref<!tpu.dma_semaphore, #tpu.memory_space<semaphore_mem>>)
          %dma_wait3A = arith.constant 0 : i32
          %dma_wait3A_50 = tpu.memref_slice %arg8[%add3A_37, %dma_wait3A] : memref<10240x128xf32, #tpu.memory_space<vmem_shared>> -> memref<128x128xf32, #tpu.memory_space<vmem_shared>>
          %dma_wait3A_51 = arith.constant 0 : i32
          %dma_wait3A_52 = tpu.memref_slice %arg8[%add3A_37, %dma_wait3A_51] : memref<10240x128xf32, #tpu.memory_space<vmem_shared>> -> memref<128x128xf32, #tpu.memory_space<vmem_shared>>
          tpu.wait_dma2 semaphore(%run_scoped3A_46 : memref<!tpu.dma_semaphore, #tpu.memory_space<semaphore_mem>>) src(%run_scoped3A : memref<128x128xf32, #tpu.memory_space<vmem>>) dst(%dma_wait3A_52 : memref<128x128xf32, #tpu.memory_space<vmem_shared>>)
          tpu.yield
        }) : () -> ()
        %mul3A_38 = arith.constant 640 : i32
        %mul3A_39 = arith.muli %arg1, %mul3A_38 : i32
        %add3A_40 = arith.constant 384 : i32
        %add3A_41 = arith.addi %mul3A_39, %add3A_40 : i32
        "tpu.region"() ({
          %run_scoped3A_46 = tpu.sem_alloc : memref<!tpu.dma_semaphore, #tpu.memory_space<semaphore_mem>>
          %dma_start3A = arith.constant 0 : i32
          %dma_start3A_47 = tpu.memref_slice %arg8[%add3A_41, %dma_start3A] : memref<10240x128xf32, #tpu.memory_space<vmem_shared>> -> memref<128x128xf32, #tpu.memory_space<vmem_shared>>
          %dma_start3A_48 = arith.constant 0 : i32
          %dma_start3A_49 = tpu.memref_slice %arg8[%add3A_41, %dma_start3A_48] : memref<10240x128xf32, #tpu.memory_space<vmem_shared>> -> memref<128x128xf32, #tpu.memory_space<vmem_shared>>
          tpu.enqueue_dma source(%run_scoped3A : memref<128x128xf32, #tpu.memory_space<vmem>>) target(%dma_start3A_49 : memref<128x128xf32, #tpu.memory_space<vmem_shared>>) target_semaphore(%run_scoped3A_46 : memref<!tpu.dma_semaphore, #tpu.memory_space<semaphore_mem>>)
          %dma_wait3A = arith.constant 0 : i32
          %dma_wait3A_50 = tpu.memref_slice %arg8[%add3A_41, %dma_wait3A] : memref<10240x128xf32, #tpu.memory_space<vmem_shared>> -> memref<128x128xf32, #tpu.memory_space<vmem_shared>>
          %dma_wait3A_51 = arith.constant 0 : i32
          %dma_wait3A_52 = tpu.memref_slice %arg8[%add3A_41, %dma_wait3A_51] : memref<10240x128xf32, #tpu.memory_space<vmem_shared>> -> memref<128x128xf32, #tpu.memory_space<vmem_shared>>
          tpu.wait_dma2 semaphore(%run_scoped3A_46 : memref<!tpu.dma_semaphore, #tpu.memory_space<semaphore_mem>>) src(%run_scoped3A : memref<128x128xf32, #tpu.memory_space<vmem>>) dst(%dma_wait3A_52 : memref<128x128xf32, #tpu.memory_space<vmem_shared>>)
          tpu.yield
        }) : () -> ()
        %mul3A_42 = arith.constant 640 : i32
        %mul3A_43 = arith.muli %arg1, %mul3A_42 : i32
        %add3A_44 = arith.constant 512 : i32
        %add3A_45 = arith.addi %mul3A_43, %add3A_44 : i32
        "tpu.region"() ({
          %run_scoped3A_46 = tpu.sem_alloc : memref<!tpu.dma_semaphore, #tpu.memory_space<semaphore_mem>>
          %dma_start3A = arith.constant 0 : i32
          %dma_start3A_47 = tpu.memref_slice %arg8[%add3A_45, %dma_start3A] : memref<10240x128xf32, #tpu.memory_space<vmem_shared>> -> memref<128x128xf32, #tpu.memory_space<vmem_shared>>
          %dma_start3A_48 = arith.constant 0 : i32
          %dma_start3A_49 = tpu.memref_slice %arg8[%add3A_45, %dma_start3A_48] : memref<10240x128xf32, #tpu.memory_space<vmem_shared>> -> memref<128x128xf32, #tpu.memory_space<vmem_shared>>
          tpu.enqueue_dma source(%run_scoped3A : memref<128x128xf32, #tpu.memory_space<vmem>>) target(%dma_start3A_49 : memref<128x128xf32, #tpu.memory_space<vmem_shared>>) target_semaphore(%run_scoped3A_46 : memref<!tpu.dma_semaphore, #tpu.memory_space<semaphore_mem>>)
          %dma_wait3A = arith.constant 0 : i32
          %dma_wait3A_50 = tpu.memref_slice %arg8[%add3A_45, %dma_wait3A] : memref<10240x128xf32, #tpu.memory_space<vmem_shared>> -> memref<128x128xf32, #tpu.memory_space<vmem_shared>>
          %dma_wait3A_51 = arith.constant 0 : i32
          %dma_wait3A_52 = tpu.memref_slice %arg8[%add3A_45, %dma_wait3A_51] : memref<10240x128xf32, #tpu.memory_space<vmem_shared>> -> memref<128x128xf32, #tpu.memory_space<vmem_shared>>
          tpu.wait_dma2 semaphore(%run_scoped3A_46 : memref<!tpu.dma_semaphore, #tpu.memory_space<semaphore_mem>>) src(%run_scoped3A : memref<128x128xf32, #tpu.memory_space<vmem>>) dst(%dma_wait3A_52 : memref<128x128xf32, #tpu.memory_space<vmem_shared>>)
          tpu.yield
        }) : () -> ()
      } else {
      }
      %barrier3A = arith.constant 0 : index
      tpu.barrier barrier_id(%barrier3A)
      "tpu.region"() ({
        %run_scoped3A_26 = tpu.sem_alloc : memref<!tpu.dma_semaphore, #tpu.memory_space<semaphore_mem>>
        %dma_start3A = arith.constant 0 : i32
        %dma_start3A_27 = arith.constant 0 : i32
        %dma_start3A_28 = tpu.memref_slice %arg3[%add3A, %dma_start3A, %dma_start3A_27] : memref<32x80x128xi32, #tpu.memory_space<hbm>> -> memref<1x40x128xi32, #tpu.memory_space<hbm>>
        %dma_start3A_29 = tpu.memref_squeeze %dma_start3A_28 : memref<1x40x128xi32, #tpu.memory_space<hbm>> -> memref<40x128xi32, #tpu.memory_space<hbm>>
        %dma_start3A_30 = arith.constant 0 : i32
        %dma_start3A_31 = arith.constant 0 : i32
        %dma_start3A_32 = tpu.memref_slice %arg3[%add3A, %dma_start3A_30, %dma_start3A_31] : memref<32x80x128xi32, #tpu.memory_space<hbm>> -> memref<1x40x128xi32, #tpu.memory_space<hbm>>
        %dma_start3A_33 = tpu.memref_squeeze %dma_start3A_32 : memref<1x40x128xi32, #tpu.memory_space<hbm>> -> memref<40x128xi32, #tpu.memory_space<hbm>>
        tpu.enqueue_dma source(%dma_start3A_33 : memref<40x128xi32, #tpu.memory_space<hbm>>) target(%arg6 : memref<40x128xi32, #tpu.memory_space<vmem>>) target_semaphore(%run_scoped3A_26 : memref<!tpu.dma_semaphore, #tpu.memory_space<semaphore_mem>>)
        %dma_wait3A = arith.constant 0 : i32
        %dma_wait3A_34 = arith.constant 0 : i32
        %dma_wait3A_35 = tpu.memref_slice %arg3[%add3A, %dma_wait3A, %dma_wait3A_34] : memref<32x80x128xi32, #tpu.memory_space<hbm>> -> memref<1x40x128xi32, #tpu.memory_space<hbm>>
        %dma_wait3A_36 = tpu.memref_squeeze %dma_wait3A_35 : memref<1x40x128xi32, #tpu.memory_space<hbm>> -> memref<40x128xi32, #tpu.memory_space<hbm>>
        %dma_wait3A_37 = arith.constant 0 : i32
        %dma_wait3A_38 = arith.constant 0 : i32
        %dma_wait3A_39 = tpu.memref_slice %arg3[%add3A, %dma_wait3A_37, %dma_wait3A_38] : memref<32x80x128xi32, #tpu.memory_space<hbm>> -> memref<1x40x128xi32, #tpu.memory_space<hbm>>
        %dma_wait3A_40 = tpu.memref_squeeze %dma_wait3A_39 : memref<1x40x128xi32, #tpu.memory_space<hbm>> -> memref<40x128xi32, #tpu.memory_space<hbm>>
        tpu.wait_dma2 semaphore(%run_scoped3A_26 : memref<!tpu.dma_semaphore, #tpu.memory_space<semaphore_mem>>) src(%dma_wait3A_40 : memref<40x128xi32, #tpu.memory_space<hbm>>) dst(%arg6 : memref<40x128xi32, #tpu.memory_space<vmem>>)
        tpu.yield
      }) : () -> ()
      "tpu.region"() ({
        %run_scoped3A_26 = tpu.sem_alloc : memref<!tpu.dma_semaphore, #tpu.memory_space<semaphore_mem>>
        %dma_start3A = arith.constant 0 : i32
        %dma_start3A_27 = arith.constant 0 : i32
        %dma_start3A_28 = tpu.memref_slice %arg4[%add3A, %dma_start3A, %dma_start3A_27] : memref<32x80x128xi32, #tpu.memory_space<hbm>> -> memref<1x40x128xi32, #tpu.memory_space<hbm>>
        %dma_start3A_29 = tpu.memref_squeeze %dma_start3A_28 : memref<1x40x128xi32, #tpu.memory_space<hbm>> -> memref<40x128xi32, #tpu.memory_space<hbm>>
        %dma_start3A_30 = arith.constant 0 : i32
        %dma_start3A_31 = arith.constant 0 : i32
        %dma_start3A_32 = tpu.memref_slice %arg4[%add3A, %dma_start3A_30, %dma_start3A_31] : memref<32x80x128xi32, #tpu.memory_space<hbm>> -> memref<1x40x128xi32, #tpu.memory_space<hbm>>
        %dma_start3A_33 = tpu.memref_squeeze %dma_start3A_32 : memref<1x40x128xi32, #tpu.memory_space<hbm>> -> memref<40x128xi32, #tpu.memory_space<hbm>>
        tpu.enqueue_dma source(%dma_start3A_33 : memref<40x128xi32, #tpu.memory_space<hbm>>) target(%arg7 : memref<40x128xi32, #tpu.memory_space<vmem>>) target_semaphore(%run_scoped3A_26 : memref<!tpu.dma_semaphore, #tpu.memory_space<semaphore_mem>>)
        %dma_wait3A = arith.constant 0 : i32
        %dma_wait3A_34 = arith.constant 0 : i32
        %dma_wait3A_35 = tpu.memref_slice %arg4[%add3A, %dma_wait3A, %dma_wait3A_34] : memref<32x80x128xi32, #tpu.memory_space<hbm>> -> memref<1x40x128xi32, #tpu.memory_space<hbm>>
        %dma_wait3A_36 = tpu.memref_squeeze %dma_wait3A_35 : memref<1x40x128xi32, #tpu.memory_space<hbm>> -> memref<40x128xi32, #tpu.memory_space<hbm>>
        %dma_wait3A_37 = arith.constant 0 : i32
        %dma_wait3A_38 = arith.constant 0 : i32
        %dma_wait3A_39 = tpu.memref_slice %arg4[%add3A, %dma_wait3A_37, %dma_wait3A_38] : memref<32x80x128xi32, #tpu.memory_space<hbm>> -> memref<1x40x128xi32, #tpu.memory_space<hbm>>
        %dma_wait3A_40 = tpu.memref_squeeze %dma_wait3A_39 : memref<1x40x128xi32, #tpu.memory_space<hbm>> -> memref<40x128xi32, #tpu.memory_space<hbm>>
        tpu.wait_dma2 semaphore(%run_scoped3A_26 : memref<!tpu.dma_semaphore, #tpu.memory_space<semaphore_mem>>) src(%dma_wait3A_40 : memref<40x128xi32, #tpu.memory_space<hbm>>) dst(%arg7 : memref<40x128xi32, #tpu.memory_space<vmem>>)
        tpu.yield
      }) : () -> ()
      %scan3A_11 = arith.constant 0 : i32
      %scan3A_12 = arith.constant 40 : i32
      %scan3A_13 = arith.addi %scan3A_11, %scan3A_12 : i32
      %scan3A_14 = arith.constant 1 : i32
      scf.for %scan3A_26 = %scan3A_11 to %scan3A_13 step %scan3A_14  : i32 {
        %mul3A_27 = arith.constant 1 : i32
        %mul3A_28 = arith.muli %scan3A_26, %mul3A_27 : i32
        %add3A_29 = arith.constant 0 : i32
        %add3A_30 = arith.addi %add3A_29, %mul3A_28 : i32
        "tpu.region"() ({
          %run_scoped3A_31 = tpu.sem_alloc : memref<!tpu.dma_semaphore, #tpu.memory_space<semaphore_mem>>
          %dma_start3A = arith.constant 0 : i32
          %dma_start3A_32 = tpu.memref_slice %arg6[%add3A_30, %dma_start3A] : memref<40x128xi32, #tpu.memory_space<vmem>> -> memref<1x128xi32, #tpu.memory_space<vmem>>
          %dma_start3A_33 = tpu.memref_squeeze %dma_start3A_32 : memref<1x128xi32, #tpu.memory_space<vmem>> -> memref<128xi32, #tpu.memory_space<vmem>>
          %dma_start3A_34 = arith.constant 0 : i32
          %dma_start3A_35 = arith.constant 0 : i32
          %dma_start3A_36 = tpu.memref_slice %arg2[%dma_start3A_34, %dma_start3A_35] : memref<12288x128xf32, #tpu.memory_space<hbm>> -> memref<12288x128xf32, #tpu.memory_space<hbm>>
          tpu.enqueue_indirect_dma source(%dma_start3A_36 : memref<12288x128xf32, #tpu.memory_space<hbm>>) target(%run_scoped3A : memref<128x128xf32, #tpu.memory_space<vmem>>) offsets(%dma_start3A_33 : memref<128xi32, #tpu.memory_space<vmem>>) semaphore(%run_scoped3A_31 : memref<!tpu.dma_semaphore, #tpu.memory_space<semaphore_mem>>)
          %dma_wait3A = arith.constant 0 : i32
          %dma_wait3A_37 = tpu.memref_slice %arg6[%add3A_30, %dma_wait3A] : memref<40x128xi32, #tpu.memory_space<vmem>> -> memref<1x128xi32, #tpu.memory_space<vmem>>
          %dma_wait3A_38 = tpu.memref_squeeze %dma_wait3A_37 : memref<1x128xi32, #tpu.memory_space<vmem>> -> memref<128xi32, #tpu.memory_space<vmem>>
          %dma_wait3A_39 = arith.constant 0 : i32
          %dma_wait3A_40 = arith.constant 0 : i32
          %dma_wait3A_41 = tpu.memref_slice %arg2[%dma_wait3A_39, %dma_wait3A_40] : memref<12288x128xf32, #tpu.memory_space<hbm>> -> memref<12288x128xf32, #tpu.memory_space<hbm>>
          tpu.wait_indirect_dma semaphore(%run_scoped3A_31 : memref<!tpu.dma_semaphore, #tpu.memory_space<semaphore_mem>>) src(%dma_wait3A_41 : memref<12288x128xf32, #tpu.memory_space<hbm>>) dst(%run_scoped3A : memref<128x128xf32, #tpu.memory_space<vmem>>)
          tpu.yield
        }) : () -> ()
        "tpu.region"() ({
          %run_scoped3A_31 = tpu.sem_alloc : memref<!tpu.dma_semaphore, #tpu.memory_space<semaphore_mem>>
          %dma_start3A = arith.constant 0 : i32
          %dma_start3A_32 = tpu.memref_slice %arg7[%add3A_30, %dma_start3A] : memref<40x128xi32, #tpu.memory_space<vmem>> -> memref<1x128xi32, #tpu.memory_space<vmem>>
          %dma_start3A_33 = tpu.memref_squeeze %dma_start3A_32 : memref<1x128xi32, #tpu.memory_space<vmem>> -> memref<128xi32, #tpu.memory_space<vmem>>
          %dma_start3A_34 = arith.constant 0 : i32
          %dma_start3A_35 = arith.constant 0 : i32
          %dma_start3A_36 = tpu.memref_slice %arg8[%dma_start3A_34, %dma_start3A_35] : memref<10240x128xf32, #tpu.memory_space<vmem_shared>> -> memref<10240x128xf32, #tpu.memory_space<vmem_shared>>
          tpu.enqueue_indirect_dma source(%run_scoped3A : memref<128x128xf32, #tpu.memory_space<vmem>>) target(%dma_start3A_36 : memref<10240x128xf32, #tpu.memory_space<vmem_shared>>) offsets(%dma_start3A_33 : memref<128xi32, #tpu.memory_space<vmem>>) semaphore(%run_scoped3A_31 : memref<!tpu.dma_semaphore, #tpu.memory_space<semaphore_mem>>) {add = true}
          %dma_wait3A = arith.constant 0 : i32
          %dma_wait3A_37 = tpu.memref_slice %arg7[%add3A_30, %dma_wait3A] : memref<40x128xi32, #tpu.memory_space<vmem>> -> memref<1x128xi32, #tpu.memory_space<vmem>>
          %dma_wait3A_38 = tpu.memref_squeeze %dma_wait3A_37 : memref<1x128xi32, #tpu.memory_space<vmem>> -> memref<128xi32, #tpu.memory_space<vmem>>
          %dma_wait3A_39 = arith.constant 0 : i32
          %dma_wait3A_40 = arith.constant 0 : i32
          %dma_wait3A_41 = tpu.memref_slice %arg8[%dma_wait3A_39, %dma_wait3A_40] : memref<10240x128xf32, #tpu.memory_space<vmem_shared>> -> memref<10240x128xf32, #tpu.memory_space<vmem_shared>>
          tpu.wait_indirect_dma semaphore(%run_scoped3A_31 : memref<!tpu.dma_semaphore, #tpu.memory_space<semaphore_mem>>) src(%run_scoped3A : memref<128x128xf32, #tpu.memory_space<vmem>>) dst(%dma_wait3A_41 : memref<10240x128xf32, #tpu.memory_space<vmem_shared>>)
          tpu.yield
        }) : () -> ()
      }
      %scan3A_15 = arith.constant 40 : i32
      "tpu.region"() ({
        %run_scoped3A_26 = tpu.sem_alloc : memref<!tpu.dma_semaphore, #tpu.memory_space<semaphore_mem>>
        %dma_start3A = arith.constant 40 : i32
        %dma_start3A_27 = arith.constant 0 : i32
        %dma_start3A_28 = tpu.memref_slice %arg3[%add3A, %dma_start3A, %dma_start3A_27] : memref<32x80x128xi32, #tpu.memory_space<hbm>> -> memref<1x40x128xi32, #tpu.memory_space<hbm>>
        %dma_start3A_29 = tpu.memref_squeeze %dma_start3A_28 : memref<1x40x128xi32, #tpu.memory_space<hbm>> -> memref<40x128xi32, #tpu.memory_space<hbm>>
        %dma_start3A_30 = arith.constant 40 : i32
        %dma_start3A_31 = arith.constant 0 : i32
        %dma_start3A_32 = tpu.memref_slice %arg3[%add3A, %dma_start3A_30, %dma_start3A_31] : memref<32x80x128xi32, #tpu.memory_space<hbm>> -> memref<1x40x128xi32, #tpu.memory_space<hbm>>
        %dma_start3A_33 = tpu.memref_squeeze %dma_start3A_32 : memref<1x40x128xi32, #tpu.memory_space<hbm>> -> memref<40x128xi32, #tpu.memory_space<hbm>>
        tpu.enqueue_dma source(%dma_start3A_33 : memref<40x128xi32, #tpu.memory_space<hbm>>) target(%arg6 : memref<40x128xi32, #tpu.memory_space<vmem>>) target_semaphore(%run_scoped3A_26 : memref<!tpu.dma_semaphore, #tpu.memory_space<semaphore_mem>>)
        %dma_wait3A = arith.constant 40 : i32
        %dma_wait3A_34 = arith.constant 0 : i32
        %dma_wait3A_35 = tpu.memref_slice %arg3[%add3A, %dma_wait3A, %dma_wait3A_34] : memref<32x80x128xi32, #tpu.memory_space<hbm>> -> memref<1x40x128xi32, #tpu.memory_space<hbm>>
        %dma_wait3A_36 = tpu.memref_squeeze %dma_wait3A_35 : memref<1x40x128xi32, #tpu.memory_space<hbm>> -> memref<40x128xi32, #tpu.memory_space<hbm>>
        %dma_wait3A_37 = arith.constant 40 : i32
        %dma_wait3A_38 = arith.constant 0 : i32
        %dma_wait3A_39 = tpu.memref_slice %arg3[%add3A, %dma_wait3A_37, %dma_wait3A_38] : memref<32x80x128xi32, #tpu.memory_space<hbm>> -> memref<1x40x128xi32, #tpu.memory_space<hbm>>
        %dma_wait3A_40 = tpu.memref_squeeze %dma_wait3A_39 : memref<1x40x128xi32, #tpu.memory_space<hbm>> -> memref<40x128xi32, #tpu.memory_space<hbm>>
        tpu.wait_dma2 semaphore(%run_scoped3A_26 : memref<!tpu.dma_semaphore, #tpu.memory_space<semaphore_mem>>) src(%dma_wait3A_40 : memref<40x128xi32, #tpu.memory_space<hbm>>) dst(%arg6 : memref<40x128xi32, #tpu.memory_space<vmem>>)
        tpu.yield
      }) : () -> ()
      "tpu.region"() ({
        %run_scoped3A_26 = tpu.sem_alloc : memref<!tpu.dma_semaphore, #tpu.memory_space<semaphore_mem>>
        %dma_start3A = arith.constant 40 : i32
        %dma_start3A_27 = arith.constant 0 : i32
        %dma_start3A_28 = tpu.memref_slice %arg4[%add3A, %dma_start3A, %dma_start3A_27] : memref<32x80x128xi32, #tpu.memory_space<hbm>> -> memref<1x40x128xi32, #tpu.memory_space<hbm>>
        %dma_start3A_29 = tpu.memref_squeeze %dma_start3A_28 : memref<1x40x128xi32, #tpu.memory_space<hbm>> -> memref<40x128xi32, #tpu.memory_space<hbm>>
        %dma_start3A_30 = arith.constant 40 : i32
        %dma_start3A_31 = arith.constant 0 : i32
        %dma_start3A_32 = tpu.memref_slice %arg4[%add3A, %dma_start3A_30, %dma_start3A_31] : memref<32x80x128xi32, #tpu.memory_space<hbm>> -> memref<1x40x128xi32, #tpu.memory_space<hbm>>
        %dma_start3A_33 = tpu.memref_squeeze %dma_start3A_32 : memref<1x40x128xi32, #tpu.memory_space<hbm>> -> memref<40x128xi32, #tpu.memory_space<hbm>>
        tpu.enqueue_dma source(%dma_start3A_33 : memref<40x128xi32, #tpu.memory_space<hbm>>) target(%arg7 : memref<40x128xi32, #tpu.memory_space<vmem>>) target_semaphore(%run_scoped3A_26 : memref<!tpu.dma_semaphore, #tpu.memory_space<semaphore_mem>>)
        %dma_wait3A = arith.constant 40 : i32
        %dma_wait3A_34 = arith.constant 0 : i32
        %dma_wait3A_35 = tpu.memref_slice %arg4[%add3A, %dma_wait3A, %dma_wait3A_34] : memref<32x80x128xi32, #tpu.memory_space<hbm>> -> memref<1x40x128xi32, #tpu.memory_space<hbm>>
        %dma_wait3A_36 = tpu.memref_squeeze %dma_wait3A_35 : memref<1x40x128xi32, #tpu.memory_space<hbm>> -> memref<40x128xi32, #tpu.memory_space<hbm>>
        %dma_wait3A_37 = arith.constant 40 : i32
        %dma_wait3A_38 = arith.constant 0 : i32
        %dma_wait3A_39 = tpu.memref_slice %arg4[%add3A, %dma_wait3A_37, %dma_wait3A_38] : memref<32x80x128xi32, #tpu.memory_space<hbm>> -> memref<1x40x128xi32, #tpu.memory_space<hbm>>
        %dma_wait3A_40 = tpu.memref_squeeze %dma_wait3A_39 : memref<1x40x128xi32, #tpu.memory_space<hbm>> -> memref<40x128xi32, #tpu.memory_space<hbm>>
        tpu.wait_dma2 semaphore(%run_scoped3A_26 : memref<!tpu.dma_semaphore, #tpu.memory_space<semaphore_mem>>) src(%dma_wait3A_40 : memref<40x128xi32, #tpu.memory_space<hbm>>) dst(%arg7 : memref<40x128xi32, #tpu.memory_space<vmem>>)
        tpu.yield
      }) : () -> ()
      %scan3A_16 = arith.constant 0 : i32
      %scan3A_17 = arith.constant 40 : i32
      %scan3A_18 = arith.addi %scan3A_16, %scan3A_17 : i32
      %scan3A_19 = arith.constant 1 : i32
      scf.for %scan3A_26 = %scan3A_16 to %scan3A_18 step %scan3A_19  : i32 {
        %mul3A_27 = arith.constant 1 : i32
        %mul3A_28 = arith.muli %scan3A_26, %mul3A_27 : i32
        %add3A_29 = arith.constant 0 : i32
        %add3A_30 = arith.addi %add3A_29, %mul3A_28 : i32
        "tpu.region"() ({
          %run_scoped3A_31 = tpu.sem_alloc : memref<!tpu.dma_semaphore, #tpu.memory_space<semaphore_mem>>
          %dma_start3A = arith.constant 0 : i32
          %dma_start3A_32 = tpu.memref_slice %arg6[%add3A_30, %dma_start3A] : memref<40x128xi32, #tpu.memory_space<vmem>> -> memref<1x128xi32, #tpu.memory_space<vmem>>
          %dma_start3A_33 = tpu.memref_squeeze %dma_start3A_32 : memref<1x128xi32, #tpu.memory_space<vmem>> -> memref<128xi32, #tpu.memory_space<vmem>>
          %dma_start3A_34 = arith.constant 0 : i32
          %dma_start3A_35 = arith.constant 0 : i32
          %dma_start3A_36 = tpu.memref_slice %arg2[%dma_start3A_34, %dma_start3A_35] : memref<12288x128xf32, #tpu.memory_space<hbm>> -> memref<12288x128xf32, #tpu.memory_space<hbm>>
          tpu.enqueue_indirect_dma source(%dma_start3A_36 : memref<12288x128xf32, #tpu.memory_space<hbm>>) target(%run_scoped3A : memref<128x128xf32, #tpu.memory_space<vmem>>) offsets(%dma_start3A_33 : memref<128xi32, #tpu.memory_space<vmem>>) semaphore(%run_scoped3A_31 : memref<!tpu.dma_semaphore, #tpu.memory_space<semaphore_mem>>)
          %dma_wait3A = arith.constant 0 : i32
          %dma_wait3A_37 = tpu.memref_slice %arg6[%add3A_30, %dma_wait3A] : memref<40x128xi32, #tpu.memory_space<vmem>> -> memref<1x128xi32, #tpu.memory_space<vmem>>
          %dma_wait3A_38 = tpu.memref_squeeze %dma_wait3A_37 : memref<1x128xi32, #tpu.memory_space<vmem>> -> memref<128xi32, #tpu.memory_space<vmem>>
          %dma_wait3A_39 = arith.constant 0 : i32
          %dma_wait3A_40 = arith.constant 0 : i32
          %dma_wait3A_41 = tpu.memref_slice %arg2[%dma_wait3A_39, %dma_wait3A_40] : memref<12288x128xf32, #tpu.memory_space<hbm>> -> memref<12288x128xf32, #tpu.memory_space<hbm>>
          tpu.wait_indirect_dma semaphore(%run_scoped3A_31 : memref<!tpu.dma_semaphore, #tpu.memory_space<semaphore_mem>>) src(%dma_wait3A_41 : memref<12288x128xf32, #tpu.memory_space<hbm>>) dst(%run_scoped3A : memref<128x128xf32, #tpu.memory_space<vmem>>)
          tpu.yield
        }) : () -> ()
        "tpu.region"() ({
          %run_scoped3A_31 = tpu.sem_alloc : memref<!tpu.dma_semaphore, #tpu.memory_space<semaphore_mem>>
          %dma_start3A = arith.constant 0 : i32
          %dma_start3A_32 = tpu.memref_slice %arg7[%add3A_30, %dma_start3A] : memref<40x128xi32, #tpu.memory_space<vmem>> -> memref<1x128xi32, #tpu.memory_space<vmem>>
          %dma_start3A_33 = tpu.memref_squeeze %dma_start3A_32 : memref<1x128xi32, #tpu.memory_space<vmem>> -> memref<128xi32, #tpu.memory_space<vmem>>
          %dma_start3A_34 = arith.constant 0 : i32
          %dma_start3A_35 = arith.constant 0 : i32
          %dma_start3A_36 = tpu.memref_slice %arg8[%dma_start3A_34, %dma_start3A_35] : memref<10240x128xf32, #tpu.memory_space<vmem_shared>> -> memref<10240x128xf32, #tpu.memory_space<vmem_shared>>
          tpu.enqueue_indirect_dma source(%run_scoped3A : memref<128x128xf32, #tpu.memory_space<vmem>>) target(%dma_start3A_36 : memref<10240x128xf32, #tpu.memory_space<vmem_shared>>) offsets(%dma_start3A_33 : memref<128xi32, #tpu.memory_space<vmem>>) semaphore(%run_scoped3A_31 : memref<!tpu.dma_semaphore, #tpu.memory_space<semaphore_mem>>) {add = true}
          %dma_wait3A = arith.constant 0 : i32
          %dma_wait3A_37 = tpu.memref_slice %arg7[%add3A_30, %dma_wait3A] : memref<40x128xi32, #tpu.memory_space<vmem>> -> memref<1x128xi32, #tpu.memory_space<vmem>>
          %dma_wait3A_38 = tpu.memref_squeeze %dma_wait3A_37 : memref<1x128xi32, #tpu.memory_space<vmem>> -> memref<128xi32, #tpu.memory_space<vmem>>
          %dma_wait3A_39 = arith.constant 0 : i32
          %dma_wait3A_40 = arith.constant 0 : i32
          %dma_wait3A_41 = tpu.memref_slice %arg8[%dma_wait3A_39, %dma_wait3A_40] : memref<10240x128xf32, #tpu.memory_space<vmem_shared>> -> memref<10240x128xf32, #tpu.memory_space<vmem_shared>>
          tpu.wait_indirect_dma semaphore(%run_scoped3A_31 : memref<!tpu.dma_semaphore, #tpu.memory_space<semaphore_mem>>) src(%run_scoped3A : memref<128x128xf32, #tpu.memory_space<vmem>>) dst(%dma_wait3A_41 : memref<10240x128xf32, #tpu.memory_space<vmem_shared>>)
          tpu.yield
        }) : () -> ()
      }
      %scan3A_20 = arith.constant 40 : i32
      %barrier3A_21 = arith.constant 0 : index
      tpu.barrier barrier_id(%barrier3A_21)
      %mul3A_22 = arith.constant 640 : i32
      %mul3A_23 = arith.muli %arg1, %mul3A_22 : i32
      %mul3A_24 = arith.constant 640 : i32
      %mul3A_25 = arith.muli %arg1, %mul3A_24 : i32
      "tpu.region"() ({
        %run_scoped3A_26 = tpu.sem_alloc : memref<!tpu.dma_semaphore, #tpu.memory_space<semaphore_mem>>
        %dma_start3A = arith.constant 0 : i32
        %dma_start3A_27 = tpu.memref_slice %arg5[%arg0, %mul3A_25, %dma_start3A] : memref<2x10240x128xf32, #tpu.memory_space<hbm>> -> memref<1x640x128xf32, #tpu.memory_space<hbm>>
        %dma_start3A_28 = tpu.memref_squeeze %dma_start3A_27 : memref<1x640x128xf32, #tpu.memory_space<hbm>> -> memref<640x128xf32, #tpu.memory_space<hbm>>
        %dma_start3A_29 = arith.constant 0 : i32
        %dma_start3A_30 = tpu.memref_slice %arg8[%mul3A_23, %dma_start3A_29] : memref<10240x128xf32, #tpu.memory_space<vmem_shared>> -> memref<640x128xf32, #tpu.memory_space<vmem_shared>>
        tpu.enqueue_dma source(%dma_start3A_30 : memref<640x128xf32, #tpu.memory_space<vmem_shared>>) target(%dma_start3A_28 : memref<640x128xf32, #tpu.memory_space<hbm>>) target_semaphore(%run_scoped3A_26 : memref<!tpu.dma_semaphore, #tpu.memory_space<semaphore_mem>>)
        %dma_wait3A = arith.constant 0 : i32
        %dma_wait3A_31 = tpu.memref_slice %arg5[%arg0, %mul3A_25, %dma_wait3A] : memref<2x10240x128xf32, #tpu.memory_space<hbm>> -> memref<1x640x128xf32, #tpu.memory_space<hbm>>
        %dma_wait3A_32 = tpu.memref_squeeze %dma_wait3A_31 : memref<1x640x128xf32, #tpu.memory_space<hbm>> -> memref<640x128xf32, #tpu.memory_space<hbm>>
        %dma_wait3A_33 = arith.constant 0 : i32
        %dma_wait3A_34 = tpu.memref_slice %arg8[%mul3A_23, %dma_wait3A_33] : memref<10240x128xf32, #tpu.memory_space<vmem_shared>> -> memref<640x128xf32, #tpu.memory_space<vmem_shared>>
        tpu.wait_dma2 semaphore(%run_scoped3A_26 : memref<!tpu.dma_semaphore, #tpu.memory_space<semaphore_mem>>) src(%dma_wait3A_34 : memref<640x128xf32, #tpu.memory_space<vmem_shared>>) dst(%dma_wait3A_32 : memref<640x128xf32, #tpu.memory_space<hbm>>)
        tpu.yield
      }) : () -> ()
      tpu.yield
    }) : () -> ()
    return
  }
}

module attributes {stable_mosaic.version = 14 : i64} {
  func.func @_k2_body(%arg0: i32, %arg1: memref<4x512x128xf32, #tpu.memory_space<vmem>>, %arg2: memref<2x512x1xf32, #tpu.memory_space<vmem>>, %arg3: memref<1x128xf32, #tpu.memory_space<vmem>>, %arg4: memref<1x128xf32, #tpu.memory_space<vmem>>, %arg5: memref<128x128xf32, #tpu.memory_space<vmem>>, %arg6: memref<512x128xf32, #tpu.memory_space<vmem>>, %arg7: memref<512x1xf32, #tpu.memory_space<vmem>>) attributes {dimension_semantics = [#tpu.dimension_semantics<arbitrary>], iteration_bounds = array<i64: 24>, scalar_prefetch = 0 : i64, scratch_operands = 0 : i64, tpu.core_type = #tpu.core_type<tc>, window_params = [{transform_indices = @transform_0, window_bounds = array<i64: 4, 512, 128>}, {transform_indices = @transform_1, window_bounds = array<i64: 2, 512, 1>}, {pipeline_mode = #tpu.pipeline_mode<synchronous>, transform_indices = @transform_2, window_bounds = array<i64: 1, 128>}, {pipeline_mode = #tpu.pipeline_mode<synchronous>, transform_indices = @transform_3, window_bounds = array<i64: 1, 128>}, {pipeline_mode = #tpu.pipeline_mode<synchronous>, transform_indices = @transform_4, window_bounds = array<i64: 128, 128>}, {transform_indices = @transform_5, window_bounds = array<i64: 512, 128>}, {transform_indices = @transform_6, window_bounds = array<i64: 512, 1>}]} {
    %get3A = arith.constant 0 : index
    %get3A_0 = arith.constant 0 : index
    %get3A_1 = arith.constant 0 : index
    %get3A_2 = vector.load %arg1[%get3A, %get3A_0, %get3A_1] : memref<4x512x128xf32, #tpu.memory_space<vmem>>, vector<1x512x128xf32>
    %get3A_3 = vector.shape_cast %get3A_2 : vector<1x512x128xf32> to vector<512x128xf32>
    %get3A_4 = arith.constant 3 : index
    %get3A_5 = arith.constant 0 : index
    %get3A_6 = arith.constant 0 : index
    %get3A_7 = vector.load %arg1[%get3A_4, %get3A_5, %get3A_6] : memref<4x512x128xf32, #tpu.memory_space<vmem>>, vector<1x512x128xf32>
    %get3A_8 = vector.shape_cast %get3A_7 : vector<1x512x128xf32> to vector<512x128xf32>
    %add3A = arith.addf %get3A_3, %get3A_8 : vector<512x128xf32>
    %get3A_9 = arith.constant 1 : index
    %get3A_10 = arith.constant 0 : index
    %get3A_11 = arith.constant 0 : index
    %get3A_12 = vector.load %arg1[%get3A_9, %get3A_10, %get3A_11] : memref<4x512x128xf32, #tpu.memory_space<vmem>>, vector<1x512x128xf32>
    %get3A_13 = vector.shape_cast %get3A_12 : vector<1x512x128xf32> to vector<512x128xf32>
    %add3A_14 = arith.addf %add3A, %get3A_13 : vector<512x128xf32>
    %get3A_15 = arith.constant 2 : index
    %get3A_16 = arith.constant 0 : index
    %get3A_17 = arith.constant 0 : index
    %get3A_18 = vector.load %arg1[%get3A_15, %get3A_16, %get3A_17] : memref<4x512x128xf32, #tpu.memory_space<vmem>>, vector<1x512x128xf32>
    %get3A_19 = vector.shape_cast %get3A_18 : vector<1x512x128xf32> to vector<512x128xf32>
    %add3A_20 = arith.addf %add3A_14, %get3A_19 : vector<512x128xf32>
    %reduce_sum3A = arith.constant dense<0.000000e+00> : vector<512xf32>
    %reduce_sum3A_21 = vector.multi_reduction <add>, %add3A_20, %reduce_sum3A [1] : vector<512x128xf32> to vector<512xf32>
    %broadcast_in_dim3A = vector.shape_cast %reduce_sum3A_21 : vector<512xf32> to vector<512x1xf32>
    %div3A = arith.constant 1.280000e+02 : f32
    %div3A_22 = vector.broadcast %div3A : f32 to vector<512x1xf32>
    %div3A_23 = arith.divf %broadcast_in_dim3A, %div3A_22 : vector<512x1xf32>
    %sub3A = vector.broadcast %div3A_23 : vector<512x1xf32> to vector<512x128xf32>
    %sub3A_24 = arith.subf %add3A_20, %sub3A : vector<512x128xf32>
    %mul3A = arith.mulf %sub3A_24, %sub3A_24 : vector<512x128xf32>
    %reduce_sum3A_25 = arith.constant dense<0.000000e+00> : vector<512xf32>
    %reduce_sum3A_26 = vector.multi_reduction <add>, %mul3A, %reduce_sum3A_25 [1] : vector<512x128xf32> to vector<512xf32>
    %broadcast_in_dim3A_27 = vector.shape_cast %reduce_sum3A_26 : vector<512xf32> to vector<512x1xf32>
    %div3A_28 = arith.constant 1.280000e+02 : f32
    %div3A_29 = vector.broadcast %div3A_28 : f32 to vector<512x1xf32>
    %div3A_30 = arith.divf %broadcast_in_dim3A_27, %div3A_29 : vector<512x1xf32>
    %add3A_31 = arith.constant 9.99999996E-13 : f32
    %add3A_32 = vector.broadcast %add3A_31 : f32 to vector<512x1xf32>
    %add3A_33 = arith.addf %div3A_30, %add3A_32 : vector<512x1xf32>
    %rsqrt3A = math.rsqrt %add3A_33 : vector<512x1xf32>
    %mul3A_34 = vector.broadcast %rsqrt3A : vector<512x1xf32> to vector<512x128xf32>
    %mul3A_35 = arith.mulf %sub3A_24, %mul3A_34 : vector<512x128xf32>
    %get3A_36 = arith.constant 0 : index
    %get3A_37 = arith.constant 0 : index
    %get3A_38 = vector.load %arg3[%get3A_36, %get3A_37] : memref<1x128xf32, #tpu.memory_space<vmem>>, vector<1x128xf32>
    %get3A_39 = vector.shape_cast %get3A_38 : vector<1x128xf32> to vector<128xf32>
    %broadcast_in_dim3A_40 = vector.shape_cast %get3A_39 : vector<128xf32> to vector<1x128xf32>
    %mul3A_41 = vector.broadcast %broadcast_in_dim3A_40 : vector<1x128xf32> to vector<512x128xf32>
    %mul3A_42 = arith.mulf %mul3A_35, %mul3A_41 : vector<512x128xf32>
    %get3A_43 = arith.constant 0 : index
    %get3A_44 = arith.constant 0 : index
    %get3A_45 = vector.load %arg4[%get3A_43, %get3A_44] : memref<1x128xf32, #tpu.memory_space<vmem>>, vector<1x128xf32>
    %get3A_46 = vector.shape_cast %get3A_45 : vector<1x128xf32> to vector<128xf32>
    %broadcast_in_dim3A_47 = vector.shape_cast %get3A_46 : vector<128xf32> to vector<1x128xf32>
    %add3A_48 = vector.broadcast %broadcast_in_dim3A_47 : vector<1x128xf32> to vector<512x128xf32>
    %add3A_49 = arith.addf %mul3A_42, %add3A_48 : vector<512x128xf32>
    %get3A_50 = arith.constant 0 : index
    %get3A_51 = arith.constant 0 : index
    %get3A_52 = arith.constant 0 : index
    %get3A_53 = vector.load %arg2[%get3A_50, %get3A_51, %get3A_52] : memref<2x512x1xf32, #tpu.memory_space<vmem>>, vector<1x512x1xf32>
    %get3A_54 = vector.shape_cast %get3A_53 : vector<1x512x1xf32> to vector<512x1xf32>
    %get3A_55 = arith.constant 1 : index
    %get3A_56 = arith.constant 0 : index
    %get3A_57 = arith.constant 0 : index
    %get3A_58 = vector.load %arg2[%get3A_55, %get3A_56, %get3A_57] : memref<2x512x1xf32, #tpu.memory_space<vmem>>, vector<1x512x1xf32>
    %get3A_59 = vector.shape_cast %get3A_58 : vector<1x512x1xf32> to vector<512x1xf32>
    %add3A_60 = arith.addf %get3A_54, %get3A_59 : vector<512x1xf32>
    %add3A_61 = arith.constant 1.000000e+00 : f32
    %add3A_62 = vector.broadcast %add3A_61 : f32 to vector<512x1xf32>
    %add3A_63 = arith.addf %add3A_60, %add3A_62 : vector<512x1xf32>
    %rsqrt3A_64 = math.rsqrt %add3A_63 : vector<512x1xf32>
    %get3A_65 = arith.constant 0 : index
    %get3A_66 = arith.constant 0 : index
    %get3A_67 = vector.load %arg5[%get3A_65, %get3A_66] : memref<128x128xf32, #tpu.memory_space<vmem>>, vector<128x128xf32>
    %dot_general3A = arith.constant dense<0.000000e+00> : vector<512x128xf32>
    %dot_general3A_68 = tpu.matmul %add3A_49, %get3A_67, %dot_general3A {dimension_numbers = #tpu.dot_dimension_numbers<[1], [0], [0], [1], [0, 0, 1, 1], [], []>, precision = #tpu.contract_precision<fp32>, transpose_lhs_hint = false} : vector<512x128xf32>, vector<128x128xf32>, vector<512x128xf32> -> vector<512x128xf32>
    %mul3A_69 = vector.broadcast %rsqrt3A_64 : vector<512x1xf32> to vector<512x128xf32>
    %mul3A_70 = arith.mulf %dot_general3A_68, %mul3A_69 : vector<512x128xf32>
    %swap3A = arith.constant 0 : index
    %swap3A_71 = arith.constant 0 : index
    %swap3A_72 = vector.load %arg6[%swap3A, %swap3A_71] : memref<512x128xf32, #tpu.memory_space<vmem>>, vector<512x128xf32>
    tpu.vector_store %arg6[%swap3A, %swap3A_71], %mul3A_70 {strides = array<i32>} : memref<512x128xf32, #tpu.memory_space<vmem>>, vector<512x128xf32>,
    %swap3A_73 = arith.constant 0 : index
    %swap3A_74 = arith.constant 0 : index
    %swap3A_75 = vector.load %arg7[%swap3A_73, %swap3A_74] : memref<512x1xf32, #tpu.memory_space<vmem>>, vector<512x1xf32>
    tpu.vector_store %arg7[%swap3A_73, %swap3A_74], %rsqrt3A_64 {strides = array<i32>} : memref<512x1xf32, #tpu.memory_space<vmem>>, vector<512x1xf32>,
    return
  }
  func.func @transform_0(%arg0: i32) -> (i32, i32, i32) {
    %c0_i32 = arith.constant 0 : i32
    %c0_i32_0 = arith.constant 0 : i32
    %c0_i32_1 = arith.constant 0 : i32
    return %c0_i32, %arg0, %c0_i32_0 : i32, i32, i32
  }
  func.func @transform_1(%arg0: i32) -> (i32, i32, i32) {
    %c0_i32 = arith.constant 0 : i32
    %c0_i32_0 = arith.constant 0 : i32
    %c0_i32_1 = arith.constant 0 : i32
    return %c0_i32, %arg0, %c0_i32_0 : i32, i32, i32
  }
  func.func @transform_2(%arg0: i32) -> (i32, i32) {
    %c0_i32 = arith.constant 0 : i32
    %c0_i32_0 = arith.constant 0 : i32
    %c0_i32_1 = arith.constant 0 : i32
    return %c0_i32, %c0_i32_0 : i32, i32
  }
  func.func @transform_3(%arg0: i32) -> (i32, i32) {
    %c0_i32 = arith.constant 0 : i32
    %c0_i32_0 = arith.constant 0 : i32
    %c0_i32_1 = arith.constant 0 : i32
    return %c0_i32, %c0_i32_0 : i32, i32
  }
  func.func @transform_4(%arg0: i32) -> (i32, i32) {
    %c0_i32 = arith.constant 0 : i32
    %c0_i32_0 = arith.constant 0 : i32
    %c0_i32_1 = arith.constant 0 : i32
    return %c0_i32, %c0_i32_0 : i32, i32
  }
  func.func @transform_5(%arg0: i32) -> (i32, i32) {
    %c0_i32 = arith.constant 0 : i32
    %c0_i32_0 = arith.constant 0 : i32
    return %arg0, %c0_i32 : i32, i32
  }
  func.func @transform_6(%arg0: i32) -> (i32, i32) {
    %c0_i32 = arith.constant 0 : i32
    %c0_i32_0 = arith.constant 0 : i32
    return %arg0, %c0_i32 : i32, i32
  }
}

module attributes {stable_mosaic.version = 14 : i64} {
  func.func @_k4_body(%arg0: i32, %arg1: memref<2x400x128xf32, #tpu.memory_space<vmem>>, %arg2: memref<400x1xf32, #tpu.memory_space<vmem>>, %arg3: memref<1x128xf32, #tpu.memory_space<vmem>>, %arg4: memref<400x128xf32, #tpu.memory_space<vmem>>) attributes {dimension_semantics = [#tpu.dimension_semantics<arbitrary>], iteration_bounds = array<i64: 25>, scalar_prefetch = 0 : i64, scratch_operands = 0 : i64, tpu.core_type = #tpu.core_type<tc>, window_params = [{transform_indices = @transform_0, window_bounds = array<i64: 2, 400, 128>}, {transform_indices = @transform_1, window_bounds = array<i64: 400, 1>}, {pipeline_mode = #tpu.pipeline_mode<synchronous>, transform_indices = @transform_2, window_bounds = array<i64: 1, 128>}, {transform_indices = @transform_3, window_bounds = array<i64: 400, 128>}]} {
    %get3A = arith.constant 0 : index
    %get3A_0 = arith.constant 0 : index
    %get3A_1 = arith.constant 0 : index
    %get3A_2 = vector.load %arg1[%get3A, %get3A_0, %get3A_1] : memref<2x400x128xf32, #tpu.memory_space<vmem>>, vector<1x400x128xf32>
    %get3A_3 = vector.shape_cast %get3A_2 : vector<1x400x128xf32> to vector<400x128xf32>
    %get3A_4 = arith.constant 1 : index
    %get3A_5 = arith.constant 0 : index
    %get3A_6 = arith.constant 0 : index
    %get3A_7 = vector.load %arg1[%get3A_4, %get3A_5, %get3A_6] : memref<2x400x128xf32, #tpu.memory_space<vmem>>, vector<1x400x128xf32>
    %get3A_8 = vector.shape_cast %get3A_7 : vector<1x400x128xf32> to vector<400x128xf32>
    %add3A = arith.addf %get3A_3, %get3A_8 : vector<400x128xf32>
    %get3A_9 = arith.constant 0 : index
    %get3A_10 = arith.constant 0 : index
    %get3A_11 = vector.load %arg2[%get3A_9, %get3A_10] : memref<400x1xf32, #tpu.memory_space<vmem>>, vector<400x1xf32>
    %mul3A = vector.broadcast %get3A_11 : vector<400x1xf32> to vector<400x128xf32>
    %mul3A_12 = arith.mulf %add3A, %mul3A : vector<400x128xf32>
    %get3A_13 = arith.constant 0 : index
    %get3A_14 = arith.constant 0 : index
    %get3A_15 = vector.load %arg3[%get3A_13, %get3A_14] : memref<1x128xf32, #tpu.memory_space<vmem>>, vector<1x128xf32>
    %get3A_16 = vector.shape_cast %get3A_15 : vector<1x128xf32> to vector<128xf32>
    %broadcast_in_dim3A = vector.shape_cast %get3A_16 : vector<128xf32> to vector<1x128xf32>
    %add3A_17 = vector.broadcast %broadcast_in_dim3A : vector<1x128xf32> to vector<400x128xf32>
    %add3A_18 = arith.addf %mul3A_12, %add3A_17 : vector<400x128xf32>
    %max3A = arith.constant 0.000000e+00 : f32
    %max3A_19 = vector.broadcast %max3A : f32 to vector<400x128xf32>
    %max3A_20 = arith.maximumf %add3A_18, %max3A_19 : vector<400x128xf32>
    %swap3A = arith.constant 0 : index
    %swap3A_21 = arith.constant 0 : index
    %swap3A_22 = vector.load %arg4[%swap3A, %swap3A_21] : memref<400x128xf32, #tpu.memory_space<vmem>>, vector<400x128xf32>
    tpu.vector_store %arg4[%swap3A, %swap3A_21], %max3A_20 {strides = array<i32>} : memref<400x128xf32, #tpu.memory_space<vmem>>, vector<400x128xf32>,
    return
  }
  func.func @transform_0(%arg0: i32) -> (i32, i32, i32) {
    %c0_i32 = arith.constant 0 : i32
    %c0_i32_0 = arith.constant 0 : i32
    %c0_i32_1 = arith.constant 0 : i32
    return %c0_i32, %arg0, %c0_i32_0 : i32, i32, i32
  }
  func.func @transform_1(%arg0: i32) -> (i32, i32) {
    %c0_i32 = arith.constant 0 : i32
    %c0_i32_0 = arith.constant 0 : i32
    return %arg0, %c0_i32 : i32, i32
  }
  func.func @transform_2(%arg0: i32) -> (i32, i32) {
    %c0_i32 = arith.constant 0 : i32
    %c0_i32_0 = arith.constant 0 : i32
    %c0_i32_1 = arith.constant 0 : i32
    return %c0_i32, %c0_i32_0 : i32, i32
  }
  func.func @transform_3(%arg0: i32) -> (i32, i32) {
    %c0_i32 = arith.constant 0 : i32
    %c0_i32_0 = arith.constant 0 : i32
    return %arg0, %c0_i32 : i32, i32
  }
}

</mosaic_0001>

<sc_bundles>
// kernel: kernel.6.cloned.1.call-start
scs
__scs_entry_jumppad:
0x0: {  	(pc) =	sbr.rel $0x88, $3  }
0x1: {  	(tag) =	ssettag $0x0;
	lr =	simm.s32 $0x1  }
0x2: {  	[smem:$0x3F97] =	sst lr;
	_ =	strace $0xD0000000  }
0x3: {  	_ = 	snop  }
0x4: {  	_ = 	snop  }
0x5: {  	_ = 	snop  }
0x6: {  	_ = 	snop  }
0x7: {  	_ = 	snop  }
__scs_overlays_trampoline_lowered:
0x8: {  	[smem:$0x3FA6] =	sst s0  }
0x9: {  	[smem:$0x3FA7] =	sst s1  }
0xa: {  	[smem:$0x3FA8] =	sst s2  }
0xb: {  	[smem:$0x3FA9] =	sst s3  }
0xc: {  	[smem:$0x3FAA] =	sst s4  }
0xd: {  	[smem:$0x3FAB] =	sst s5  }
0xe: {  	[smem:$0x3FAC] =	sst s6  }
0xf: {  	[smem:$0x3FAD] =	sst s7  }
0x10: {  	[smem:$0x3FAE] =	sst s8  }
0x11: {  	[smem:$0x3FAF] =	sst s9;
	s0 =	simm.s32 @!p0 $0x0  }
0x12: {  	s1 =	sld [smem:$0x3F95];
	s0 =	simm.s32 @p0 $0x1  }
0x13: {  	[smem:$0x3FB0] =	sst s0;
	s0 =	simm.s32 @!p1 $0x0  }
0x14: {  	s2 =	sld [smem:$0x3F94];
	s0 =	simm.s32 @p1 $0x1  }
0x15: {  	[smem:$0x3FB1] =	sst s0;
	s0 =	simm.s32 @!p2 $0x0  }
0x16: {  	s3 =	sld [smem:$0x3FDB];
	s0 =	simm.s32 @p2 $0x1  }
0x17: {  	s4 =	simm.s32 $0x1BF5;
	[smem:$0x3FB3] =	sst s0  }
0x18: {  	s0 =	sld [smem:$0x3F96];
	_ =	swait.ge [sflag:s4], $0x0  }
0x19: {  	s7 =	sld [smem:$0x3F97]  }
0x1a: {  	s8 =	sadd.s32 $0xFFFFE003, lr  }
0x1b: {  	s9 =	sadd.s32 $0xFFFFFEF7, lr;
	s5 =	simm.s32 $0xFFFFFFFF;
	p2 =	slt.u32 s8, $0xFFFFF086  }
0x1c: {  	p1 =	slt.u32 s9, $0xF7A;
	s5 =	simm.s32 @!p2 $0x0  }
0x1d: {  	s5 =	simm.s32 @p1 $0x1;
	p0 =	seq.s32 s7, s2  }
0x1e: {  	s7 =	smul.u32 @!p0 $0xF7A, s2;
	p2 =	seq.s32 @!p0 s5, $0x0  }
0x1f: {  	s9 =	smul.u32 $0xF7A, s1;
	s8 =	simm.s32 @!p0 $0x1BF5;
	p2 =	por !p2, p0  }
0x20: {  	[sflag:s8] =	ssyncset.s32 @!p0 $0xFFFFF086;
	s6 =	sadd.s32 @!p0 s3, s7;
	s7 =	simm.s32 @!p0 $0x108  }
0x21: {  	s3 =	sadd.s32 s3, s9;
	s6 =	sadd.s32 @!p0 $0x88, s6;
	s7 =	simm.s32 @p2 $0x1082  }
0x22: {  	[simem:s7], [sflag:s8] =	dma.local @!p0 [hbm:s6], $0xF7A  }
0x23: {  	s9 =	sor.u32 $0xD0000000, s2;
	s6 =	simm.s32 $0x108;
	_ =	swait.ge @!p0 [sflag:s8], $0x0  }
0x24: {  	s3 =	sadd.s32 $0x88, s3;
	s6 =	simm.s32 @!p1 $0x1082;
	[sflag:s4] =	ssyncset.s32 $0xFFFFF086  }
0x25: {  	[simem:s6], [sflag:s4] =	dma.local [hbm:s3], $0xF7A  }
0x26: {  	[smem:$0x3F97] =	sst s1;
	(tag) =	ssettag s2;
	_ =	strace s9  }
0x27: {  	s1 =	sld [smem:$0x3FA7]  }
0x28: {  	s2 =	sld [smem:$0x3FA8]  }
0x29: {  	s4 =	sld [smem:$0x3FAA]  }
0x2a: {  	p0 =	seq.s32 s5, $0x0;
	s5 =	sld [smem:$0x3FAB]  }
0x2b: {  	s6 =	sld [smem:$0x3FAC]  }
0x2c: {  	s7 =	sld [smem:$0x3FAD]  }
0x2d: {  	s3 =	simm.s32 $0x108;
	s8 =	sld [smem:$0x3FAE]  }
0x2e: {  	s3 =	simm.s32 @!p0 $0x1082;
	s9 =	sld [smem:$0x3FAF]  }
0x2f: {  	lr =	sadd.s32 s0, s3;
	s0 =	sld [smem:$0x3FA6]  }
0x30: {  	s3 =	sld [smem:$0x3FA9]  }
0x31: {  	[smem:$0x3FB2] =	sst s10  }
0x32: {  	s10 =	sld [smem:$0x3FB0];
	_ =	sdelay $0x3  }
0x33: {  	p0 =	seq.s32 s10, $0x1;
	s10 =	sld [smem:$0x3FB2];
	_ =	sdelay $0x3  }
0x34: {  	[smem:$0x3FB2] =	sst s10  }
0x35: {  	s10 =	sld [smem:$0x3FB1];
	_ =	sdelay $0x3  }
0x36: {  	p1 =	seq.s32 s10, $0x1;
	s10 =	sld [smem:$0x3FB2];
	_ =	sdelay $0x3  }
0x37: {  	[smem:$0x3FB2] =	sst s10  }
0x38: {  	s10 =	sld [smem:$0x3FB3]  }
0x39: {  	_ = 	snop;
	(pc) =	sbr.ind lr, $3  }
0x3a: {  	_ = 	snop  }
0x3b: {  	_ = 	snop  }
0x3c: {  	p2 =	seq.s32 s10, $0x1;
	s10 =	sld [smem:$0x3FB2]  }
0x3d: {  	_ =	shalt  }
0x3e: {  	_ =	shalt  }
0x3f: {  	_ =	shalt  }
0x40: {  	_ =	shalt  }
0x41: {  	_ =	shalt  }
0x42: {  	_ =	shalt  }
0x43: {  	_ =	shalt  }
0x44: {  	_ =	shalt  }
0x45: {  	_ =	shalt  }
0x46: {  	_ =	shalt  }
0x47: {  	_ =	shalt  }
0x48: {  	_ =	shalt  }
0x49: {  	_ =	shalt  }
0x4a: {  	_ =	shalt  }
0x4b: {  	_ =	shalt  }
0x4c: {  	_ =	shalt  }
0x4d: {  	_ =	shalt  }
0x4e: {  	_ =	shalt  }
0x4f: {  	_ =	shalt  }
0x50: {  	_ =	shalt  }
0x51: {  	_ =	shalt  }
0x52: {  	_ =	shalt  }
0x53: {  	_ =	shalt  }
0x54: {  	_ =	shalt  }
0x55: {  	_ =	shalt  }
0x56: {  	_ =	shalt  }
0x57: {  	_ =	shalt  }
0x58: {  	_ =	shalt  }
0x59: {  	_ =	shalt  }
0x5a: {  	_ =	shalt  }
0x5b: {  	_ =	shalt  }
0x5c: {  	_ =	shalt  }
0x5d: {  	_ =	shalt  }
0x5e: {  	_ =	shalt  }
0x5f: {  	_ =	shalt  }
0x60: {  	_ =	shalt  }
0x61: {  	_ =	shalt  }
0x62: {  	_ =	shalt  }
0x63: {  	_ =	shalt  }
0x64: {  	_ =	shalt  }
0x65: {  	_ =	shalt  }
0x66: {  	_ =	shalt  }
0x67: {  	_ =	shalt  }
0x68: {  	_ =	shalt  }
0x69: {  	_ =	shalt  }
0x6a: {  	_ =	shalt  }
0x6b: {  	_ =	shalt  }
0x6c: {  	_ =	shalt  }
0x6d: {  	_ =	shalt  }
0x6e: {  	_ =	shalt  }
0x6f: {  	_ =	shalt  }
0x70: {  	_ =	shalt  }
0x71: {  	_ =	shalt  }
0x72: {  	_ =	shalt  }
0x73: {  	_ =	shalt  }
0x74: {  	_ =	shalt  }
0x75: {  	_ =	shalt  }
0x76: {  	_ =	shalt  }
0x77: {  	_ =	shalt  }
0x78: {  	_ =	shalt  }
0x79: {  	_ =	shalt  }
0x7a: {  	_ =	shalt  }
0x7b: {  	_ =	shalt  }
0x7c: {  	_ =	shalt  }
0x7d: {  	_ =	shalt  }
0x7e: {  	_ =	shalt  }
0x7f: {  	_ =	shalt  }
0x80: {  	_ =	shalt  }
0x81: {  	_ =	shalt  }
0x82: {  	_ =	shalt  }
0x83: {  	_ =	shalt  }
0x84: {  	_ =	shalt  }
0x85: {  	_ =	shalt  }
0x86: {  	_ =	shalt  }
0x87: {  	_ =	shalt  }
.Lfunc_end0:
.L_simem_size_0:
called_computation_lowered:
.L_overlay_start_0:
0x88: {  	s2 =	sld [smem:$0x3FD9]  }
0x89: {  	s3 =	sld [smem:$0x3FFE];
	_ =	sdelay $0x1  }
0x8a: {  	s1 =	srdreg.scid  }
0x8b: {  	s0 =	sand.u32 $0x1, s1  }
0x8c: {  	s17 =	sshll.u32 s0, $0xA;
	s2 =	sadd.s32 s3, s2  }
0x8d: {  	s2 =	sadd.s32 s2, s17  }
0x8e: {  	[smem:$0x3FBE] =	sst s2  }
0x8f: {  	_ = 	snop  }
0x90: {  	s2 =	sld [smem:$0x3FC7]  }
0x91: {  	s18 =	sld [smem:$0x3FC6]  }
0x92: {  	s4 =	sld [smem:$0x3FC5]  }
0x93: {  	s5 =	sld [smem:$0x3FC4]  }
0x94: {  	s6 =	sld [smem:$0x3FD0];
	(tm) =	ssettm $0x1  }
0x95: {  	s7 =	sld [smem:$0x3FFB];
	_ =	sdelay $0x3  }
0x96: {  	_ =	strace s7  }
0x97: {  	s7 =	sld [smem:$0x3FFC];
	_ =	sdelay $0x3  }
0x98: {  	_ =	strace s7  }
0x99: {  	s7 =	sld [smem:$0x3FFD];
	_ =	sdelay $0x3  }
0x9a: {  	_ =	strace s7  }
0x9b: {  	_ =	strace $0x8FFFFFFF  }
0x9c: {  	s19 =	sld [smem:$0x3FDB];
	_ =	sdelay $0x1  }
0x9d: {  	s8 =	simm.s32 $_scs_section_size  }
0x9e: {  	s9 =	simm.s32 $_size__tile_overlayer_lowered;
	s10 =	simm.s32 $_tile_overlayer_lowered  }
0x9f: {  	s22 =	simm.s32 $0x1BFF;
	s21 =	sshll.u32 s10, $0x1;
	s7 =	sadd.s32 s8, s19  }
0xa0: {  	s11 =	simm.s32 $0x0;
	s20 =	sshll.u32 s9, $0x1;
	s9 =	sadd.s32 s21, s7  }
0xa1: {  	[timem:s11], [sflag:s22] =	dma.local [hbm:s9], s20  }
0xa2: {  	_ =	swait.ge [sflag:s22], s20  }
0xa3: {  	s8 =	ssub.s32 $0x0, s20;
	[sflag:s22] =	ssyncset.done $0x0  }
0xa4: {  	[sflag:s22] =	ssyncadd.s32 s8;
	_ =	sdelay $0x1  }
0xa5: {  	s23 =	simm.s32 $0x1B8B  }
0xa6: {  	_ =	swait.ge [sflag:s23], $0x1  }
0xa7: {  	[sflag:s23] =	ssyncset.done $0x0  }
0xa8: {  	s25 =	simm.s32 $0x1B8E;
	s24 =	sld [smem:$0x3FFE];
	[sflag:s23] =	ssyncadd.s32 $0xFFFFFFFF  }
0xa9: {  	s26 =	simm.s32 $execute0_lowered;
	[smem:$0x3FD2] =	sst s25  }
0xaa: {  	s9 =	sshll.u32 s26, $0x1;
	_ =	strace $0x80000046;
	[dreg:$0x1] =	wrdreg $0xFFFFFFFF  }
0xab: {  	s28 =	simm.s32 $_size_execute0_lowered;
	s7 =	sadd.s32 s7, s9;
	[dreg:$0x0] =	wrdreg $0x0  }
0xac: {  	s9 =	sshll.u32 s28, $0x1;
	[dreg:$0x2] =	wrdreg s7  }
0xad: {  	[dreg:$0x3] =	wrdreg s9  }
0xae: {  	[dreg:$0x4] =	wrdreg $0xC0  }
0xaf: {  	_ =	task [dreg:s11], $0x5FFFF  }
0xb0: {  	[dreg:$0x1] =	wrdreg $0xFFFFFFFF  }
0xb1: {  	[dreg:$0x0] =	wrdreg $0x60  }
0xb2: {  	[dreg:$0x2] =	wrdreg s2  }
0xb3: {  	[dreg:$0x3] =	wrdreg s18  }
0xb4: {  	[dreg:$0x4] =	wrdreg s4  }
0xb5: {  	[dreg:$0x5] =	wrdreg s5  }
0xb6: {  	[dreg:$0x6] =	wrdreg s24  }
0xb7: {  	[dreg:$0x7] =	wrdreg s6  }
0xb8: {  	[dreg:$0x8] =	wrdreg $0x60800  }
0xb9: {  	[dreg:$0x9] =	wrdreg $0x9  }
0xba: {  	_ =	task.clear_ibuf [dreg:s11], $0xAFFFF;
	_ =	strace $0x90000046  }
0xbb: {  	s29 =	simm.s32 $0x9;
	_ =	strace $0x80000048  }
0xbc: {  	_ =	swait.ge [sflag:s29], $0x1  }
0xbd: {  	[sflag:s29] =	ssyncadd.s32 $0xFFFFFFFF  }
0xbe: {  	_ =	strace $0x90000048  }
0xbf: {  	_ =	sfence  }
0xc0: {  	s30 =	sld [smem:$0x0];
	_ =	sdelay $0x2  }
0xc1: {  	s31 =	sshll.u32 s1, $0xD;
	s1 =	sshrl.u32 s1, $0x2  }
0xc2: {  	s3 =	sand.u32 $0x4000, s31;
	s1 =	sadd.s32 s1, s30  }
0xc3: {  	s0 =	sor.u32 s3, s0;
	s1 =	sshll.u32 s1, $0x11  }
0xc4: {  	s0 =	sor.u32 s1, s0  }
0xc5: {  	s0 =	sadd.s32 $0x8F2B, s0  }
0xc6: {  	[sflag:s0] =	ssyncadd.remote.s32 $0x1  }
0xc7: {  	_ =	sfence.sel $0xFFFF  }
0xc8: {  	[dreg:$0x0] =	wrdreg $0xFFFFFFFF;
	(pc) =	sbr.abs _section_cstart, $3  }
0xc9: {  	[dreg:$0x1] =	wrdreg $0xFFFFFFFF  }
0xca: {  	_ =	task.clear_ibuf [dreg:s11], $0x2FFFF;
	_ =	strace $0x9FFFFFFF  }
0xcb: {  	(tm) =	ssettm $0x7FFFFFFF  }
tec
execute0_lowered:
.L_overlay_start_1:
0x0: {  	(tag) =	ssettag $0x1  }
0x1: {  	s0 =	rddreg [dreg:$0x0]  }
0x2: {  	s1 =	rddreg [dreg:$0x1]  }
0x3: {  	s2 =	rddreg [dreg:$0x2]  }
0x4: {  	s3 =	rddreg [dreg:$0x3]  }
0x5: {  	s4 =	rddreg [dreg:$0x4]  }
0x6: {  	s5 =	srdreg.scid;
	s6 =	rddreg [dreg:$0x5]  }
0x7: {  	s14 =	rddreg [dreg:$0x6];
	s28 =	stileid.u32  }
0x8: {  	s7 =	simm.s32 $0x0;
	s29 =	simm.s32 $0x1;
	s30 =	simm.s32 $0x6000  }
0x9: {  	s31 =	simm.s32 $0x3000;
	s5 =	sand.u32 $0x1, s5;
	[smem:$0x7FF] =	sst s7  }
0xa: {  	s10 =	sadd.s32 $0xC000, s4;
	s11 =	sadd.s32 $0xBE00, s4;
	s26 =	sshll.u32 s28, $0xA  }
0xb: {  	p0 =	sgt.u32 s28, $0xB;
	_ =	strace $0x80000047;
	[dreg:$0x8] =	wrdreg s10  }
0xc: {  	s8 =	sshll.u32 s5, $0x4;
	s25 =	smul.u32 $0x3000, s5;
	[dreg:$0x9] =	wrdreg s11  }
0xd: {  	s5 =	ssub.s32 $0x2, s5;
	s11 =	sadd.s32 s26, s14;
	s8 =	sor.u32 s28, s8  }
0xe: {  	s12 =	sshrl.u32 s5, $0x1;
	[dreg:$0xa] =	wrdreg s11;
	s9 =	smul.u32 $0xC000, s8  }
0xf: {  	s28 =	simm.s32 $0x0;
	s10 =	sadd.s32 s26, s25;
	s13 =	smul.u32 $0x500, s8  }
0x10: {  	s5 =	ssub.s32 s5, s12;
	s8 =	sshll.u32 s8, $0x8;
	s10 =	sshrl.u32 s10, $0x3  }
0x11: {  	s12 =	sadd.s32 s4, s8;
	s26 =	smax.u32 s5, $0x1;
	s5 =	simm.s32 $0x6380  }
0x12: {  	s9 =	sshrl.u32 s9, $0x3;
	s10 =	sadd.s32 s10, s4;
	s11 =	sadd.s32 s6, s13  }
0x13: {  	s6 =	simm.s32 $0x80;
	s9 =	sadd.s32 s9, s4;
	s25 =	sadd.s32 $0xC200, s10  }
0x14: {  	s13 =	sadd.s32 $0xCE00, s9;
	s14 =	sadd.s32 $0xD600, s9;
	s15 =	sadd.s32 $0xDE00, s9  }
0x15: {  	s16 =	sadd.s32 $0x3CE00, s9;
	s17 =	sadd.s32 $0x3D600, s9;
	s18 =	sadd.s32 $0x3DE00, s9  }
0x16: {  	s19 =	sadd.s32 $0x6CE00, s9;
	s20 =	sadd.s32 $0x6D600, s9;
	s21 =	sadd.s32 $0x6DE00, s9  }
0x17: {  	v0 =	vimm.f32 $0.0e+00;
	v1 =	vimm.f32 $1.000000000e+00;
	s22 =	sadd.s32 $0x9CE00, s9;
	s23 =	sadd.s32 $0x9D600, s9;
	s24 =	sadd.s32 $0x9DE00, s9  }
.LBB2_1:
0x18: {  	s4 =	stileid.u32  }
0x19: {  	s8 =	rddreg [dreg:$0xa];
	s4 =	sshll.u32 @!p0 s4, $0x6  }
0x1a: {  	s9 =	rddreg [dreg:$0x8];
	s8 =	sshrl.u32 @!p0 s8, $0x3;
	s4 =	sor.u32 @!p0 $0x1C01, s4  }
0x1b: {  	[spmem:s8], [sflag:s4] =	dma.local @!p0 [hbm:s9], $0x80  }
0x1c: {  	s9 =	simm.s32 @!p0 $0x1  }
0x1d: {  	_ =	swait.ge @!p0 [sflag:s9], $0x80  }
0x1e: {  	[sflag:s9] =	ssyncset.done @!p0 $0x0  }
0x1f: {  	s10 =	simm.s32 $0x800;
	[sflag:s9] =	ssyncadd.s32 @!p0 $0xFFFFFF80  }
0x20: {  	[tilespmem:s10], [sflag:$0x1] =	stream.linear.gather [hbm4b:s11+s7], $0x2800, $0x38;
	[tilespmem:$0xA380] =	vst v63  }
0x21: {  	_ =	swait.ge [sflag:s29], $0x2800  }
0x22: {  	[sflag:s29] =	ssyncset.done $0x0  }
0x23: {  	s10 =	rddreg [dreg:$0x9];
	[sflag:s29] =	ssyncadd.s32 $0xFFFFD800  }
0x24: {  	[tilespmem:s30], [sflag:$0x1] =	stream.linear.gather [hbm4b:s10+s7], $0x80, $0x38;
	[tilespmem:$0xA380] =	vst v63  }
0x25: {  	_ =	swait.ge [sflag:s29], $0x80  }
0x26: {  	[sflag:s29] =	ssyncset.done $0x0  }
0x27: {  	s9 =	simm.s32 $0x0;
	s10 =	simm.s32 $0x200;
	[sflag:s29] =	ssyncadd.s32 $0xFFFFFF80  }
.LBB2_2:
0x28: {  	p1 =	sne.s32 s10, $0xBE00;
	[tilespmem:s9+$0x3070] =	vst v0  }
0x29: {  	[tilespmem:s9+$0x3000] =	vst v0  }
0x2a: {  	[tilespmem:s9+$0x3010] =	vst v0  }
.Ltmp0:
0x2b: {  	[tilespmem:s9+$0x3020] =	vst v0;
	(pc) =	sbr.rel @p1 .LBB2_2-.Ltmp0, $4  }
0x2c: {  	[tilespmem:s9+$0x3030] =	vst v0  }
0x2d: {  	[tilespmem:s9+$0x3040] =	vst v0  }
0x2e: {  	[tilespmem:s9+$0x3050] =	vst v0  }
0x2f: {  	[tilespmem:s9+$0x3060] =	vst v0;
	s9 =	sshra.s32 s10, $0x2;
	s10 =	sadd.s32 $0x200, s10  }
0x30: {  	[tilespmem:s9+$0x3070] =	vst v0  }
0x31: {  	[tilespmem:s9+$0x3000] =	vst v0  }
0x32: {  	[tilespmem:s9+$0x3010] =	vst v0  }
0x33: {  	[tilespmem:s9+$0x3020] =	vst v0  }
0x34: {  	[tilespmem:s9+$0x3030] =	vst v0  }
0x35: {  	[tilespmem:s9+$0x3040] =	vst v0  }
0x36: {  	[tilespmem:s9+$0x3050] =	vst v0  }
0x37: {  	[tilespmem:s9+$0x3060] =	vst v0;
	s9 =	simm.s32 $0x0  }
.LBB2_4:
0x38: {  	s10 =	sshra.s32 s9, $0x2  }
0x39: {  	v2 =	vld [tilespmem:s10+$0x800];
	_ =	sdelay $0x7  }
0x3a: {  	[tilespmem:v2+s31+$0x0] =	vst.idx.add.f32.msk $0xffff, v1  }
0x3b: {  	v2 =	vld [tilespmem:s10+$0x810];
	_ =	sdelay $0x7  }
0x3c: {  	[tilespmem:v2+s31+$0x0] =	vst.idx.add.f32.msk $0xffff, v1  }
0x3d: {  	v2 =	vld [tilespmem:s10+$0x820];
	_ =	sdelay $0x7  }
0x3e: {  	[tilespmem:v2+s31+$0x0] =	vst.idx.add.f32.msk $0xffff, v1  }
0x3f: {  	v2 =	vld [tilespmem:s10+$0x830];
	_ =	sdelay $0x7  }
0x40: {  	[tilespmem:v2+s31+$0x0] =	vst.idx.add.f32.msk $0xffff, v1  }
0x41: {  	v2 =	vld [tilespmem:s10+$0x840];
	_ =	sdelay $0x7  }
0x42: {  	[tilespmem:v2+s31+$0x0] =	vst.idx.add.f32.msk $0xffff, v1  }
0x43: {  	v2 =	vld [tilespmem:s10+$0x850];
	_ =	sdelay $0x7  }
0x44: {  	[tilespmem:v2+s31+$0x0] =	vst.idx.add.f32.msk $0xffff, v1  }
0x45: {  	v2 =	vld [tilespmem:s10+$0x860];
	_ =	sdelay $0x7  }
0x46: {  	[tilespmem:v2+s31+$0x0] =	vst.idx.add.f32.msk $0xffff, v1  }
0x47: {  	v2 =	vld [tilespmem:s10+$0x870];
	_ =	sdelay $0x2  }
0x48: {  	p1 =	sne.s32 s9, $0x9E00  }
.Ltmp1:
0x49: {  	_ = 	snop;
	(pc) =	sbr.rel @p1 .LBB2_4-.Ltmp1, $2  }
0x4a: {  	_ =	sdelay $0x2  }
0x4b: {  	s9 =	sadd.s32 $0x200, s9;
	[tilespmem:v2+s31+$0x0] =	vst.idx.add.f32.msk $0xffff, v1  }
0x4c: {  	[bflag:$0x0] =	sbarrier.arrive $0xFFFF  }
0x4d: {  	s10 =	simm.s32 $0x60;
	s9 =	rddreg [dreg:$0x6]  }
0x4e: {  	[spmem:s9] =	stream.indirect.scatter.add.f32 [tilespmem:s31], [sflag:$0x1], $0x80, s30, s10, $0xb8;
	[tilespmem:$0xA380] =	vst v63  }
0x4f: {  	_ =	swait.ge [sflag:s29], $0x3000  }
0x50: {  	[sflag:s29] =	ssyncset.done $0x0  }
0x51: {  	[sflag:s29] =	ssyncadd.s32 $0xFFFFD000  }
0x52: {  	[tilespmem:s7], [sflag:$0x1] =	stream.linear.gather [hbm4b:s12+s7], $0x600, $0x38;
	[tilespmem:$0xA380] =	vst v63  }
0x53: {  	_ =	swait.ge [sflag:s29], $0x600  }
0x54: {  	[sflag:s29] =	ssyncset.done $0x0  }
0x55: {  	[sflag:s29] =	ssyncadd.s32 $0xFFFFFA00  }
0x56: {  	[tilespmem:s5], [sflag:$0x1] =	stream.indirect.gather [hbm4b:s0+s6], $0x80, s7, s6, $0xb8;
	[tilespmem:$0xA380] =	vst v63  }
0x57: {  	_ =	swait.ge [sflag:s29], $0x4000  }
0x58: {  	[sflag:s29] =	ssyncset.done $0x0  }
0x59: {  	[sflag:s29] =	ssyncadd.s32 $0xFFFFC000  }
0x5a: {  	[hbm4b:s13+s7] =	stream.linear.scatter [tilespmem:s5], [sflag:$0x1], $0x4000, $0x38;
	[tilespmem:$0xA380] =	vst v63  }
0x5b: {  	_ =	swait.ge [sflag:s29], $0x4000  }
0x5c: {  	[sflag:s29] =	ssyncset.done $0x0  }
0x5d: {  	[sflag:s29] =	ssyncadd.s32 $0xFFFFC000  }
0x5e: {  	[tilespmem:s5], [sflag:$0x1] =	stream.indirect.gather [hbm4b:s0+s6], $0x80, s6, s6, $0xb8;
	[tilespmem:$0xA380] =	vst v63  }
0x5f: {  	_ =	swait.ge [sflag:s29], $0x4000  }
0x60: {  	[sflag:s29] =	ssyncset.done $0x0  }
0x61: {  	[sflag:s29] =	ssyncadd.s32 $0xFFFFC000  }
0x62: {  	[hbm4b:s14+s7] =	stream.linear.scatter [tilespmem:s5], [sflag:$0x1], $0x4000, $0x38;
	[tilespmem:$0xA380] =	vst v63  }
0x63: {  	_ =	swait.ge [sflag:s29], $0x4000  }
0x64: {  	[sflag:s29] =	ssyncset.done $0x0  }
0x65: {  	s10 =	simm.s32 $0x100;
	[sflag:s29] =	ssyncadd.s32 $0xFFFFC000  }
0x66: {  	[tilespmem:s5], [sflag:$0x1] =	stream.indirect.gather [hbm4b:s0+s6], $0x80, s10, s6, $0xb8;
	[tilespmem:$0xA380] =	vst v63  }
0x67: {  	_ =	swait.ge [sflag:s29], $0x4000  }
0x68: {  	[sflag:s29] =	ssyncset.done $0x0  }
0x69: {  	[sflag:s29] =	ssyncadd.s32 $0xFFFFC000  }
0x6a: {  	[hbm4b:s15+s7] =	stream.linear.scatter [tilespmem:s5], [sflag:$0x1], $0x4000, $0x38;
	[tilespmem:$0xA380] =	vst v63  }
0x6b: {  	_ =	swait.ge [sflag:s29], $0x4000  }
0x6c: {  	[sflag:s29] =	ssyncset.done $0x0  }
0x6d: {  	s10 =	simm.s32 $0x180;
	[sflag:s29] =	ssyncadd.s32 $0xFFFFC000  }
0x6e: {  	[tilespmem:s5], [sflag:$0x1] =	stream.indirect.gather [hbm4b:s1+s6], $0x80, s10, s6, $0xb8;
	[tilespmem:$0xA380] =	vst v63  }
0x6f: {  	_ =	swait.ge [sflag:s29], $0x4000  }
0x70: {  	[sflag:s29] =	ssyncset.done $0x0  }
0x71: {  	[sflag:s29] =	ssyncadd.s32 $0xFFFFC000  }
0x72: {  	[hbm4b:s16+s7] =	stream.linear.scatter [tilespmem:s5], [sflag:$0x1], $0x4000, $0x38;
	[tilespmem:$0xA380] =	vst v63  }
0x73: {  	_ =	swait.ge [sflag:s29], $0x4000  }
0x74: {  	[sflag:s29] =	ssyncset.done $0x0  }
0x75: {  	s10 =	simm.s32 $0x200;
	[sflag:s29] =	ssyncadd.s32 $0xFFFFC000  }
0x76: {  	[tilespmem:s5], [sflag:$0x1] =	stream.indirect.gather [hbm4b:s1+s6], $0x80, s10, s6, $0xb8;
	[tilespmem:$0xA380] =	vst v63  }
0x77: {  	_ =	swait.ge [sflag:s29], $0x4000  }
0x78: {  	[sflag:s29] =	ssyncset.done $0x0  }
0x79: {  	[sflag:s29] =	ssyncadd.s32 $0xFFFFC000  }
0x7a: {  	[hbm4b:s17+s7] =	stream.linear.scatter [tilespmem:s5], [sflag:$0x1], $0x4000, $0x38;
	[tilespmem:$0xA380] =	vst v63  }
0x7b: {  	_ =	swait.ge [sflag:s29], $0x4000  }
0x7c: {  	[sflag:s29] =	ssyncset.done $0x0  }
0x7d: {  	s10 =	simm.s32 $0x280;
	[sflag:s29] =	ssyncadd.s32 $0xFFFFC000  }
0x7e: {  	[tilespmem:s5], [sflag:$0x1] =	stream.indirect.gather [hbm4b:s1+s6], $0x80, s10, s6, $0xb8;
	[tilespmem:$0xA380] =	vst v63  }
0x7f: {  	_ =	swait.ge [sflag:s29], $0x4000  }
0x80: {  	[sflag:s29] =	ssyncset.done $0x0  }
0x81: {  	[sflag:s29] =	ssyncadd.s32 $0xFFFFC000  }
0x82: {  	[hbm4b:s18+s7] =	stream.linear.scatter [tilespmem:s5], [sflag:$0x1], $0x4000, $0x38;
	[tilespmem:$0xA380] =	vst v63  }
0x83: {  	_ =	swait.ge [sflag:s29], $0x4000  }
0x84: {  	[sflag:s29] =	ssyncset.done $0x0  }
0x85: {  	s10 =	simm.s32 $0x300;
	[sflag:s29] =	ssyncadd.s32 $0xFFFFC000  }
0x86: {  	[tilespmem:s5], [sflag:$0x1] =	stream.indirect.gather [hbm4b:s2+s6], $0x80, s10, s6, $0xb8;
	[tilespmem:$0xA380] =	vst v63  }
0x87: {  	_ =	swait.ge [sflag:s29], $0x4000  }
0x88: {  	[sflag:s29] =	ssyncset.done $0x0  }
0x89: {  	[sflag:s29] =	ssyncadd.s32 $0xFFFFC000  }
0x8a: {  	[hbm4b:s19+s7] =	stream.linear.scatter [tilespmem:s5], [sflag:$0x1], $0x4000, $0x38;
	[tilespmem:$0xA380] =	vst v63  }
0x8b: {  	_ =	swait.ge [sflag:s29], $0x4000  }
0x8c: {  	[sflag:s29] =	ssyncset.done $0x0  }
0x8d: {  	s10 =	simm.s32 $0x380;
	[sflag:s29] =	ssyncadd.s32 $0xFFFFC000  }
0x8e: {  	[tilespmem:s5], [sflag:$0x1] =	stream.indirect.gather [hbm4b:s2+s6], $0x80, s10, s6, $0xb8;
	[tilespmem:$0xA380] =	vst v63  }
0x8f: {  	_ =	swait.ge [sflag:s29], $0x4000  }
0x90: {  	[sflag:s29] =	ssyncset.done $0x0  }
0x91: {  	[sflag:s29] =	ssyncadd.s32 $0xFFFFC000  }
0x92: {  	[hbm4b:s20+s7] =	stream.linear.scatter [tilespmem:s5], [sflag:$0x1], $0x4000, $0x38;
	[tilespmem:$0xA380] =	vst v63  }
0x93: {  	_ =	swait.ge [sflag:s29], $0x4000  }
0x94: {  	[sflag:s29] =	ssyncset.done $0x0  }
0x95: {  	s10 =	simm.s32 $0x400;
	[sflag:s29] =	ssyncadd.s32 $0xFFFFC000  }
0x96: {  	[tilespmem:s5], [sflag:$0x1] =	stream.indirect.gather [hbm4b:s2+s6], $0x80, s10, s6, $0xb8;
	[tilespmem:$0xA380] =	vst v63  }
0x97: {  	_ =	swait.ge [sflag:s29], $0x4000  }
0x98: {  	[sflag:s29] =	ssyncset.done $0x0  }
0x99: {  	[sflag:s29] =	ssyncadd.s32 $0xFFFFC000  }
0x9a: {  	[hbm4b:s21+s7] =	stream.linear.scatter [tilespmem:s5], [sflag:$0x1], $0x4000, $0x38;
	[tilespmem:$0xA380] =	vst v63  }
0x9b: {  	_ =	swait.ge [sflag:s29], $0x4000  }
0x9c: {  	[sflag:s29] =	ssyncset.done $0x0  }
0x9d: {  	s10 =	simm.s32 $0x480;
	[sflag:s29] =	ssyncadd.s32 $0xFFFFC000  }
0x9e: {  	[tilespmem:s5], [sflag:$0x1] =	stream.indirect.gather [hbm4b:s3+s6], $0x80, s10, s6, $0xb8;
	[tilespmem:$0xA380] =	vst v63  }
0x9f: {  	_ =	swait.ge [sflag:s29], $0x4000  }
0xa0: {  	[sflag:s29] =	ssyncset.done $0x0  }
0xa1: {  	[sflag:s29] =	ssyncadd.s32 $0xFFFFC000  }
0xa2: {  	[hbm4b:s22+s7] =	stream.linear.scatter [tilespmem:s5], [sflag:$0x1], $0x4000, $0x38;
	[tilespmem:$0xA380] =	vst v63  }
0xa3: {  	_ =	swait.ge [sflag:s29], $0x4000  }
0xa4: {  	[sflag:s29] =	ssyncset.done $0x0  }
0xa5: {  	s10 =	simm.s32 $0x500;
	[sflag:s29] =	ssyncadd.s32 $0xFFFFC000  }
0xa6: {  	[tilespmem:s5], [sflag:$0x1] =	stream.indirect.gather [hbm4b:s3+s6], $0x80, s10, s6, $0xb8;
	[tilespmem:$0xA380] =	vst v63  }
0xa7: {  	_ =	swait.ge [sflag:s29], $0x4000  }
0xa8: {  	[sflag:s29] =	ssyncset.done $0x0  }
0xa9: {  	[sflag:s29] =	ssyncadd.s32 $0xFFFFC000  }
0xaa: {  	[hbm4b:s23+s7] =	stream.linear.scatter [tilespmem:s5], [sflag:$0x1], $0x4000, $0x38;
	[tilespmem:$0xA380] =	vst v63  }
0xab: {  	_ =	swait.ge [sflag:s29], $0x4000  }
0xac: {  	[sflag:s29] =	ssyncset.done $0x0  }
0xad: {  	s10 =	simm.s32 $0x580;
	[sflag:s29] =	ssyncadd.s32 $0xFFFFC000  }
0xae: {  	[tilespmem:s5], [sflag:$0x1] =	stream.indirect.gather [hbm4b:s3+s6], $0x80, s10, s6, $0xb8;
	[tilespmem:$0xA380] =	vst v63  }
0xaf: {  	_ =	swait.ge [sflag:s29], $0x4000  }
0xb0: {  	[sflag:s29] =	ssyncset.done $0x0  }
0xb1: {  	[sflag:s29] =	ssyncadd.s32 $0xFFFFC000  }
0xb2: {  	[hbm4b:s24+s7] =	stream.linear.scatter [tilespmem:s5], [sflag:$0x1], $0x4000, $0x38;
	[tilespmem:$0xA380] =	vst v63  }
0xb3: {  	_ =	swait.ge [sflag:s29], $0x4000  }
0xb4: {  	[sflag:s29] =	ssyncset.done $0x0  }
0xb5: {  	s28 =	sadd.s32 $0x1, s28;
	[sflag:s29] =	ssyncadd.s32 $0xFFFFC000  }
0xb6: {  	p1 =	sne.s32 s28, s26;
	[bflag:$0x0] =	sbarrier.arrive $0xFFFF  }
0xb7: {  	[hbm:s25], [sflag:s4] =	dma.local @!p0 [spmem:s8], $0x80  }
.Ltmp2:
0xb8: {  	_ = 	snop;
	(pc) =	sbr.rel @p1 .LBB2_1-.Ltmp2, $4  }
0xb9: {  	s4 =	simm.s32 @!p0 $0x1  }
0xba: {  	_ =	swait.ge @!p0 [sflag:s4], $0x80  }
0xbb: {  	[sflag:s4] =	ssyncset.done @!p0 $0x0  }
0xbc: {  	[sflag:s4] =	ssyncadd.s32 @!p0 $0xFFFFFF80  }
0xbd: {  	_ =	sfence.sel $0x180000  }
0xbe: {  	[bflag:$0x0] =	sbarrier.arrive $0xFFFF  }
0xbf: {  	_ =	strace $0x90000047  }
0xc0: {  	s0 =	stileid.u32;
	[bflag:$0x2] =	sbarrier.arrive $0xFFFF  }
0xc1: {  	p0 =	sne.s32 s0, $0x0;
	s0 =	rddreg [dreg:$0x7]  }
0xc2: {  	s0 =	sadd.s32 @!p0 $0x100000, s0  }
0xc3: {  	[sflag:s0] =	ssyncadd.tile.s32 @!p0 $0x1;
	_ =	shalt  }
.Lfunc_end2:
_tile_overlayer_lowered:
.L_overlay_start_2:
0xc4: {  	(tag) =	ssettag $0x2  }
0xc5: {  	s0 =	rddreg [dreg:$0x0];
	s2 =	stileid.u32  }
0xc6: {  	s1 =	rddreg [dreg:$0x1];
	p0 =	sne.s32 s2, $0x0  }
0xc7: {  	s3 =	rddreg [dreg:$0x2];
	[bflag:$0x3] =	sbarrier.arrive $0xFFFF;
	s2 =	simm.s32 @!p0 $0x1C01  }
0xc8: {  	[timem:s3], [sflag:s2] =	dma.local @!p0 [hbm:s0], s1  }
0xc9: {  	s0 =	simm.s32 @!p0 $0x1  }
0xca: {  	_ =	swait.ge @!p0 [sflag:s0], s1  }
0xcb: {  	s1 =	ssub.s32 @!p0 $0x0, s1;
	[sflag:s0] =	ssyncset.done @!p0 $0x0  }
0xcc: {  	[sflag:s0] =	ssyncadd.s32 @!p0 s1  }
0xcd: {  	[bflag:$0x3] =	sbarrier.arrive $0xFFFF  }
0xce: {  	_ =	shalt  }

// kernel: kernel.9.cloned.1.call-start
scs
__scs_entry_jumppad:
0x0: {  	(pc) =	sbr.rel $0x88, $3  }
0x1: {  	(tag) =	ssettag $0x0;
	lr =	simm.s32 $0x1  }
0x2: {  	[smem:$0x3F97] =	sst lr;
	_ =	strace $0xD0000000  }
0x3: {  	_ = 	snop  }
0x4: {  	_ = 	snop  }
0x5: {  	_ = 	snop  }
0x6: {  	_ = 	snop  }
0x7: {  	_ = 	snop  }
__scs_overlays_trampoline_lowered:
0x8: {  	[smem:$0x3FA6] =	sst s0  }
0x9: {  	[smem:$0x3FA7] =	sst s1  }
0xa: {  	[smem:$0x3FA8] =	sst s2  }
0xb: {  	[smem:$0x3FA9] =	sst s3  }
0xc: {  	[smem:$0x3FAA] =	sst s4  }
0xd: {  	[smem:$0x3FAB] =	sst s5  }
0xe: {  	[smem:$0x3FAC] =	sst s6  }
0xf: {  	[smem:$0x3FAD] =	sst s7  }
0x10: {  	[smem:$0x3FAE] =	sst s8  }
0x11: {  	[smem:$0x3FAF] =	sst s9;
	s0 =	simm.s32 @!p0 $0x0  }
0x12: {  	s1 =	sld [smem:$0x3F95];
	s0 =	simm.s32 @p0 $0x1  }
0x13: {  	[smem:$0x3FB0] =	sst s0;
	s0 =	simm.s32 @!p1 $0x0  }
0x14: {  	s2 =	sld [smem:$0x3F94];
	s0 =	simm.s32 @p1 $0x1  }
0x15: {  	[smem:$0x3FB1] =	sst s0;
	s0 =	simm.s32 @!p2 $0x0  }
0x16: {  	s3 =	sld [smem:$0x3FDB];
	s0 =	simm.s32 @p2 $0x1  }
0x17: {  	s4 =	simm.s32 $0x1BF5;
	[smem:$0x3FB3] =	sst s0  }
0x18: {  	s0 =	sld [smem:$0x3F96];
	_ =	swait.ge [sflag:s4], $0x0  }
0x19: {  	s7 =	sld [smem:$0x3F97]  }
0x1a: {  	s8 =	sadd.s32 $0xFFFFE003, lr  }
0x1b: {  	s9 =	sadd.s32 $0xFFFFFEF7, lr;
	s5 =	simm.s32 $0xFFFFFFFF;
	p2 =	slt.u32 s8, $0xFFFFF086  }
0x1c: {  	p1 =	slt.u32 s9, $0xF7A;
	s5 =	simm.s32 @!p2 $0x0  }
0x1d: {  	s5 =	simm.s32 @p1 $0x1;
	p0 =	seq.s32 s7, s2  }
0x1e: {  	s7 =	smul.u32 @!p0 $0xF7A, s2;
	p2 =	seq.s32 @!p0 s5, $0x0  }
0x1f: {  	s9 =	smul.u32 $0xF7A, s1;
	s8 =	simm.s32 @!p0 $0x1BF5;
	p2 =	por !p2, p0  }
0x20: {  	[sflag:s8] =	ssyncset.s32 @!p0 $0xFFFFF086;
	s6 =	sadd.s32 @!p0 s3, s7;
	s7 =	simm.s32 @!p0 $0x108  }
0x21: {  	s3 =	sadd.s32 s3, s9;
	s6 =	sadd.s32 @!p0 $0x88, s6;
	s7 =	simm.s32 @p2 $0x1082  }
0x22: {  	[simem:s7], [sflag:s8] =	dma.local @!p0 [hbm:s6], $0xF7A  }
0x23: {  	s9 =	sor.u32 $0xD0000000, s2;
	s6 =	simm.s32 $0x108;
	_ =	swait.ge @!p0 [sflag:s8], $0x0  }
0x24: {  	s3 =	sadd.s32 $0x88, s3;
	s6 =	simm.s32 @!p1 $0x1082;
	[sflag:s4] =	ssyncset.s32 $0xFFFFF086  }
0x25: {  	[simem:s6], [sflag:s4] =	dma.local [hbm:s3], $0xF7A  }
0x26: {  	[smem:$0x3F97] =	sst s1;
	(tag) =	ssettag s2;
	_ =	strace s9  }
0x27: {  	s1 =	sld [smem:$0x3FA7]  }
0x28: {  	s2 =	sld [smem:$0x3FA8]  }
0x29: {  	s4 =	sld [smem:$0x3FAA]  }
0x2a: {  	p0 =	seq.s32 s5, $0x0;
	s5 =	sld [smem:$0x3FAB]  }
0x2b: {  	s6 =	sld [smem:$0x3FAC]  }
0x2c: {  	s7 =	sld [smem:$0x3FAD]  }
0x2d: {  	s3 =	simm.s32 $0x108;
	s8 =	sld [smem:$0x3FAE]  }
0x2e: {  	s3 =	simm.s32 @!p0 $0x1082;
	s9 =	sld [smem:$0x3FAF]  }
0x2f: {  	lr =	sadd.s32 s0, s3;
	s0 =	sld [smem:$0x3FA6]  }
0x30: {  	s3 =	sld [smem:$0x3FA9]  }
0x31: {  	[smem:$0x3FB2] =	sst s10  }
0x32: {  	s10 =	sld [smem:$0x3FB0];
	_ =	sdelay $0x3  }
0x33: {  	p0 =	seq.s32 s10, $0x1;
	s10 =	sld [smem:$0x3FB2];
	_ =	sdelay $0x3  }
0x34: {  	[smem:$0x3FB2] =	sst s10  }
0x35: {  	s10 =	sld [smem:$0x3FB1];
	_ =	sdelay $0x3  }
0x36: {  	p1 =	seq.s32 s10, $0x1;
	s10 =	sld [smem:$0x3FB2];
	_ =	sdelay $0x3  }
0x37: {  	[smem:$0x3FB2] =	sst s10  }
0x38: {  	s10 =	sld [smem:$0x3FB3]  }
0x39: {  	_ = 	snop;
	(pc) =	sbr.ind lr, $3  }
0x3a: {  	_ = 	snop  }
0x3b: {  	_ = 	snop  }
0x3c: {  	p2 =	seq.s32 s10, $0x1;
	s10 =	sld [smem:$0x3FB2]  }
0x3d: {  	_ =	shalt  }
0x3e: {  	_ =	shalt  }
0x3f: {  	_ =	shalt  }
0x40: {  	_ =	shalt  }
0x41: {  	_ =	shalt  }
0x42: {  	_ =	shalt  }
0x43: {  	_ =	shalt  }
0x44: {  	_ =	shalt  }
0x45: {  	_ =	shalt  }
0x46: {  	_ =	shalt  }
0x47: {  	_ =	shalt  }
0x48: {  	_ =	shalt  }
0x49: {  	_ =	shalt  }
0x4a: {  	_ =	shalt  }
0x4b: {  	_ =	shalt  }
0x4c: {  	_ =	shalt  }
0x4d: {  	_ =	shalt  }
0x4e: {  	_ =	shalt  }
0x4f: {  	_ =	shalt  }
0x50: {  	_ =	shalt  }
0x51: {  	_ =	shalt  }
0x52: {  	_ =	shalt  }
0x53: {  	_ =	shalt  }
0x54: {  	_ =	shalt  }
0x55: {  	_ =	shalt  }
0x56: {  	_ =	shalt  }
0x57: {  	_ =	shalt  }
0x58: {  	_ =	shalt  }
0x59: {  	_ =	shalt  }
0x5a: {  	_ =	shalt  }
0x5b: {  	_ =	shalt  }
0x5c: {  	_ =	shalt  }
0x5d: {  	_ =	shalt  }
0x5e: {  	_ =	shalt  }
0x5f: {  	_ =	shalt  }
0x60: {  	_ =	shalt  }
0x61: {  	_ =	shalt  }
0x62: {  	_ =	shalt  }
0x63: {  	_ =	shalt  }
0x64: {  	_ =	shalt  }
0x65: {  	_ =	shalt  }
0x66: {  	_ =	shalt  }
0x67: {  	_ =	shalt  }
0x68: {  	_ =	shalt  }
0x69: {  	_ =	shalt  }
0x6a: {  	_ =	shalt  }
0x6b: {  	_ =	shalt  }
0x6c: {  	_ =	shalt  }
0x6d: {  	_ =	shalt  }
0x6e: {  	_ =	shalt  }
0x6f: {  	_ =	shalt  }
0x70: {  	_ =	shalt  }
0x71: {  	_ =	shalt  }
0x72: {  	_ =	shalt  }
0x73: {  	_ =	shalt  }
0x74: {  	_ =	shalt  }
0x75: {  	_ =	shalt  }
0x76: {  	_ =	shalt  }
0x77: {  	_ =	shalt  }
0x78: {  	_ =	shalt  }
0x79: {  	_ =	shalt  }
0x7a: {  	_ =	shalt  }
0x7b: {  	_ =	shalt  }
0x7c: {  	_ =	shalt  }
0x7d: {  	_ =	shalt  }
0x7e: {  	_ =	shalt  }
0x7f: {  	_ =	shalt  }
0x80: {  	_ =	shalt  }
0x81: {  	_ =	shalt  }
0x82: {  	_ =	shalt  }
0x83: {  	_ =	shalt  }
0x84: {  	_ =	shalt  }
0x85: {  	_ =	shalt  }
0x86: {  	_ =	shalt  }
0x87: {  	_ =	shalt  }
.Lfunc_end0:
.L_simem_size_0:
called_computation.1_lowered:
.L_overlay_start_0:
0x88: {  	s2 =	sld [smem:$0x3FD9]  }
0x89: {  	s3 =	sld [smem:$0x3FFE];
	_ =	sdelay $0x1  }
0x8a: {  	s1 =	srdreg.scid  }
0x8b: {  	s0 =	sand.u32 $0x1, s1  }
0x8c: {  	s17 =	sshll.u32 s0, $0xA;
	s2 =	sadd.s32 s3, s2  }
0x8d: {  	s2 =	sadd.s32 s2, s17  }
0x8e: {  	[smem:$0x3FBE] =	sst s2  }
0x8f: {  	_ = 	snop  }
0x90: {  	s2 =	sld [smem:$0x3FD0];
	(tm) =	ssettm $0x1  }
0x91: {  	s18 =	sld [smem:$0x3FFB];
	_ =	sdelay $0x3  }
0x92: {  	_ =	strace s18  }
0x93: {  	s3 =	sld [smem:$0x3FFC];
	_ =	sdelay $0x3  }
0x94: {  	_ =	strace s3  }
0x95: {  	s3 =	sld [smem:$0x3FFD];
	_ =	sdelay $0x3  }
0x96: {  	_ =	strace s3  }
0x97: {  	_ =	strace $0x8FFFFFFF  }
0x98: {  	s19 =	sld [smem:$0x3FDB];
	_ =	sdelay $0x1  }
0x99: {  	s4 =	simm.s32 $_scs_section_size  }
0x9a: {  	s5 =	simm.s32 $_size__tile_overlayer_lowered;
	s6 =	simm.s32 $_tile_overlayer_lowered  }
0x9b: {  	s22 =	simm.s32 $0x1BFF;
	s21 =	sshll.u32 s6, $0x1;
	s3 =	sadd.s32 s4, s19  }
0x9c: {  	s7 =	simm.s32 $0x0;
	s20 =	sshll.u32 s5, $0x1;
	s5 =	sadd.s32 s21, s3  }
0x9d: {  	[timem:s7], [sflag:s22] =	dma.local [hbm:s5], s20  }
0x9e: {  	_ =	swait.ge [sflag:s22], s20  }
0x9f: {  	s4 =	ssub.s32 $0x0, s20;
	[sflag:s22] =	ssyncset.done $0x0  }
0xa0: {  	[sflag:s22] =	ssyncadd.s32 s4;
	_ =	sdelay $0x1  }
0xa1: {  	s23 =	simm.s32 $0x1B8B  }
0xa2: {  	_ =	swait.ge [sflag:s23], $0x1  }
0xa3: {  	[sflag:s23] =	ssyncset.done $0x0  }
0xa4: {  	s25 =	simm.s32 $0x1B8E;
	s24 =	sld [smem:$0x3FFE];
	[sflag:s23] =	ssyncadd.s32 $0xFFFFFFFF  }
0xa5: {  	s26 =	simm.s32 $execute0_lowered;
	[smem:$0x3FD2] =	sst s25  }
0xa6: {  	s5 =	sshll.u32 s26, $0x1;
	_ =	strace $0x80000049;
	[dreg:$0x1] =	wrdreg $0xFFFFFFFF  }
0xa7: {  	s28 =	simm.s32 $_size_execute0_lowered;
	s3 =	sadd.s32 s3, s5;
	[dreg:$0x0] =	wrdreg $0x0  }
0xa8: {  	s5 =	sshll.u32 s28, $0x1;
	[dreg:$0x2] =	wrdreg s3  }
0xa9: {  	[dreg:$0x3] =	wrdreg s5  }
0xaa: {  	[dreg:$0x4] =	wrdreg $0xC0  }
0xab: {  	_ =	task [dreg:s7], $0x5FFFF  }
0xac: {  	[dreg:$0x1] =	wrdreg $0xFFFFFFFF  }
0xad: {  	[dreg:$0x0] =	wrdreg $0x60  }
0xae: {  	[dreg:$0x2] =	wrdreg s24  }
0xaf: {  	[dreg:$0x3] =	wrdreg s2  }
0xb0: {  	[dreg:$0x4] =	wrdreg $0x28000  }
0xb1: {  	[dreg:$0x5] =	wrdreg $0x9  }
0xb2: {  	_ =	task.clear_ibuf [dreg:s7], $0x6FFFF;
	_ =	strace $0x90000049  }
0xb3: {  	s29 =	simm.s32 $0x9;
	_ =	strace $0x8000004B  }
0xb4: {  	_ =	swait.ge [sflag:s29], $0x1  }
0xb5: {  	[sflag:s29] =	ssyncadd.s32 $0xFFFFFFFF  }
0xb6: {  	_ =	strace $0x9000004B  }
0xb7: {  	_ =	sfence  }
0xb8: {  	s30 =	sld [smem:$0x0];
	_ =	sdelay $0x2  }
0xb9: {  	s31 =	sshll.u32 s1, $0xD;
	s1 =	sshrl.u32 s1, $0x2  }
0xba: {  	s3 =	sand.u32 $0x4000, s31;
	s1 =	sadd.s32 s1, s30  }
0xbb: {  	s0 =	sor.u32 s3, s0;
	s1 =	sshll.u32 s1, $0x11  }
0xbc: {  	s0 =	sor.u32 s1, s0  }
0xbd: {  	s0 =	sadd.s32 $0x8F2B, s0  }
0xbe: {  	[sflag:s0] =	ssyncadd.remote.s32 $0x1  }
0xbf: {  	_ =	sfence.sel $0xFFFF  }
0xc0: {  	[dreg:$0x0] =	wrdreg $0xFFFFFFFF;
	(pc) =	sbr.abs _section_cstart, $3  }
0xc1: {  	[dreg:$0x1] =	wrdreg $0xFFFFFFFF  }
0xc2: {  	_ =	task.clear_ibuf [dreg:s7], $0x2FFFF;
	_ =	strace $0x9FFFFFFF  }
0xc3: {  	(tm) =	ssettm $0x7FFFFFFF  }
tec
execute0_lowered:
.L_overlay_start_1:
0x0: {  	(tag) =	ssettag $0x1  }
0x1: {  	s0 =	rddreg [dreg:$0x0]  }
0x2: {  	s14 =	rddreg [dreg:$0x1];
	s1 =	srdreg.scid  }
0x3: {  	s3 =	rddreg [dreg:$0x2];
	s2 =	stileid.u32  }
0x4: {  	s4 =	simm.s32 $0x0;
	s19 =	simm.s32 $0x1;
	s20 =	simm.s32 $0x1400  }
0x5: {  	s21 =	simm.s32 $0x80;
	s22 =	simm.s32 $0x16800;
	s6 =	smul.u32 $0x14000, s2  }
0x6: {  	s15 =	sand.u32 $0x1, s1;
	s1 =	rddreg [dreg:$0x3];
	s7 =	smul.u32 $0x50000, s2  }
0x7: {  	[smem:$0x7FF] =	sst s4;
	s13 =	sadd.s32 $0xCCE00, s0;
	s10 =	smul.u32 $0x2800, s2  }
0x8: {  	s5 =	smul.u32 $0x140000, s15;
	_ =	strace $0x8000004A;
	s30 =	ssub.s32 $0x2, s15  }
0x9: {  	s8 =	sshll.u32 s15, $0x4;
	p0 =	sne.s32 s15, $0x0;
	s31 =	sshrl.u32 s30, $0x1  }
0xa: {  	s8 =	sor.u32 s2, s8;
	s7 =	sshrl.u32 s7, $0x2;
	s5 =	sadd.s32 s6, s5  }
0xb: {  	s10 =	sadd.s32 s0, s10;
	s11 =	smul.u32 $0x2800, s8;
	s5 =	sshrl.u32 s5, $0x3  }
0xc: {  	s17 =	ssub.s32 s30, s31;
	s16 =	sadd.s32 s5, s0;
	s5 =	sadd.s32 s7, s3  }
0xd: {  	s18 =	sshrl.u32 s11, $0x3;
	s6 =	sadd.s32 $0x4000, s5;
	s7 =	sadd.s32 $0x8000, s5  }
0xe: {  	s8 =	sadd.s32 $0xC000, s5;
	s9 =	sadd.s32 $0x10000, s5;
	s11 =	sadd.s32 s13, s18  }
0xf: {  	s12 =	sadd.s32 s14, s18;
	s18 =	sadd.s32 $0x280, s18;
	s15 =	sadd.s32 $0x30000, s16  }
0x10: {  	s16 =	smax.u32 s17, $0x1;
	s17 =	sshll.u32 @!p0 s2, $0x6;
	s13 =	sadd.s32 s13, s18  }
0x11: {  	v0 =	vimm.f32 $0.0e+00;
	s14 =	sadd.s32 s14, s18;
	s17 =	sor.u32 @!p0 $0x1C01, s17;
	s18 =	sshrl.u32 @!p0 s5, $0x3  }
.LBB2_1:
0x12: {  	s23 =	simm.s32 $0x0;
	s24 =	simm.s32 $0x200  }
.LBB2_2:
0x13: {  	p1 =	sne.s32 s24, $0xFE00;
	[tilespmem:s23+$0x16870] =	vst v0  }
0x14: {  	[tilespmem:s23+$0x16800] =	vst v0  }
0x15: {  	[tilespmem:s23+$0x16810] =	vst v0  }
.Ltmp0:
0x16: {  	[tilespmem:s23+$0x16820] =	vst v0;
	(pc) =	sbr.rel @p1 .LBB2_2-.Ltmp0, $4  }
0x17: {  	[tilespmem:s23+$0x16830] =	vst v0  }
0x18: {  	[tilespmem:s23+$0x16840] =	vst v0  }
0x19: {  	[tilespmem:s23+$0x16850] =	vst v0  }
0x1a: {  	[tilespmem:s23+$0x16860] =	vst v0;
	s23 =	sshra.s32 s24, $0x2;
	s24 =	sadd.s32 $0x200, s24  }
0x1b: {  	[tilespmem:s23+$0x16870] =	vst v0  }
0x1c: {  	[tilespmem:s23+$0x16800] =	vst v0  }
0x1d: {  	[tilespmem:s23+$0x16810] =	vst v0  }
0x1e: {  	[tilespmem:s23+$0x16820] =	vst v0  }
0x1f: {  	[tilespmem:s23+$0x16830] =	vst v0  }
0x20: {  	[tilespmem:s23+$0x16840] =	vst v0  }
0x21: {  	[tilespmem:s23+$0x16850] =	vst v0  }
0x22: {  	[tilespmem:s23+$0x16860] =	vst v0;
	s23 =	simm.s32 @p0 $0x16800;
	s24 =	simm.s32 @p0 $0x1  }
0x23: {  	[spmem:s5] =	stream.linear.scatter @p0 [tilespmem:s23], [sflag:$0x1], $0x4000, $0x38;
	[tilespmem:$0x1A800] =	vst v63  }
0x24: {  	_ =	swait.ge @p0 [sflag:s24], $0x4000  }
0x25: {  	[sflag:s24] =	ssyncset.done @p0 $0x0  }
0x26: {  	[sflag:s24] =	ssyncadd.s32 @p0 $0xFFFFC000  }
0x27: {  	[spmem:s6] =	stream.linear.scatter @p0 [tilespmem:s23], [sflag:$0x1], $0x4000, $0x38;
	[tilespmem:$0x1A800] =	vst v63  }
0x28: {  	_ =	swait.ge @p0 [sflag:s24], $0x4000  }
0x29: {  	[sflag:s24] =	ssyncset.done @p0 $0x0  }
0x2a: {  	[sflag:s24] =	ssyncadd.s32 @p0 $0xFFFFC000  }
0x2b: {  	[spmem:s7] =	stream.linear.scatter @p0 [tilespmem:s23], [sflag:$0x1], $0x4000, $0x38;
	[tilespmem:$0x1A800] =	vst v63  }
0x2c: {  	_ =	swait.ge @p0 [sflag:s24], $0x4000  }
0x2d: {  	[sflag:s24] =	ssyncset.done @p0 $0x0  }
0x2e: {  	[sflag:s24] =	ssyncadd.s32 @p0 $0xFFFFC000  }
0x2f: {  	[spmem:s8] =	stream.linear.scatter @p0 [tilespmem:s23], [sflag:$0x1], $0x4000, $0x38;
	[tilespmem:$0x1A800] =	vst v63  }
0x30: {  	_ =	swait.ge @p0 [sflag:s24], $0x4000  }
0x31: {  	[sflag:s24] =	ssyncset.done @p0 $0x0  }
0x32: {  	[sflag:s24] =	ssyncadd.s32 @p0 $0xFFFFC000  }
0x33: {  	[spmem:s9] =	stream.linear.scatter @p0 [tilespmem:s23], [sflag:$0x1], $0x4000, $0x38;
	[tilespmem:$0x1A800] =	vst v63  }
0x34: {  	_ =	swait.ge @p0 [sflag:s24], $0x4000  }
0x35: {  	[sflag:s24] =	ssyncset.done @p0 $0x0  }
0x36: {  	s23 =	simm.s32 @!p0 $0x1;
	[sflag:s24] =	ssyncadd.s32 @p0 $0xFFFFC000  }
0x37: {  	[spmem:s18], [sflag:s17] =	dma.local @!p0 [hbm:s10], $0x2800  }
0x38: {  	_ =	swait.ge @!p0 [sflag:s23], $0x2800  }
0x39: {  	[sflag:s23] =	ssyncset.done @!p0 $0x0  }
0x3a: {  	[sflag:s23] =	ssyncadd.s32 @!p0 $0xFFFFD800  }
0x3b: {  	s29 =	simm.s32 $0x0;
	[bflag:$0x0] =	sbarrier.arrive $0xFFFF  }
0x3c: {  	[tilespmem:s29], [sflag:$0x1] =	stream.linear.gather [hbm4b:s11+s29], $0x1400, $0x38;
	[tilespmem:$0x1A800] =	vst v63  }
0x3d: {  	_ =	swait.ge [sflag:s19], $0x1400  }
0x3e: {  	[sflag:s19] =	ssyncset.done $0x0  }
0x3f: {  	[sflag:s19] =	ssyncadd.s32 $0xFFFFEC00  }
0x40: {  	[tilespmem:s20], [sflag:$0x1] =	stream.linear.gather [hbm4b:s12+s29], $0x1400, $0x38;
	[tilespmem:$0x1A800] =	vst v63  }
0x41: {  	_ =	swait.ge [sflag:s19], $0x1400  }
0x42: {  	[sflag:s19] =	ssyncset.done $0x0  }
0x43: {  	s30 =	simm.s32 $0x0;
	[sflag:s19] =	ssyncadd.s32 $0xFFFFEC00  }
0x44: {  	[tilespmem:s22], [sflag:$0x1] =	stream.indirect.gather [hbm4b:s0+s21], $0x80, s30, s21, $0xb8;
	[tilespmem:$0x1A800] =	vst v63  }
0x45: {  	_ =	swait.ge [sflag:s19], $0x4000  }
0x46: {  	[sflag:s19] =	ssyncset.done $0x0  }
0x47: {  	s31 =	simm.s32 $0x1400;
	[sflag:s19] =	ssyncadd.s32 $0xFFFFC000  }
0x48: {  	[spmem:s3] =	stream.indirect.scatter.add.f32 [tilespmem:s22], [sflag:$0x1], $0x80, s31, s21, $0xb8;
	[tilespmem:$0x1A800] =	vst v63  }
0x49: {  	_ =	swait.ge [sflag:s19], $0x4000  }
0x4a: {  	s24 =	simm.s32 $0x400;
	s23 =	simm.s32 $0x200;
	[sflag:s19] =	ssyncset.done $0x0  }
.LBB2_4:
0x4b: {  	s25 =	sshra.s32 s23, $0x2  }
0x4c: {  	[sflag:s19] =	ssyncadd.s32 $0xFFFFC000;
	s23 =	smov.u32 s24;
	s26 =	sadd.s32 $0x200, s24  }
0x4d: {  	[tilespmem:s22], [sflag:$0x1] =	stream.indirect.gather [hbm4b:s0+s21], $0x80, s25, s21, $0xb8;
	[tilespmem:$0x1A800] =	vst v63  }
0x4e: {  	p1 =	sne.s32 s24, $0x4E00;
	_ =	swait.ge [sflag:s19], $0x4000  }
.Ltmp1:
0x4f: {  	[sflag:s19] =	ssyncset.done $0x0;
	(pc) =	sbr.rel @p1 .LBB2_4-.Ltmp1, $4  }
0x50: {  	s24 =	sadd.s32 $0x1400, s25;
	[sflag:s19] =	ssyncadd.s32 $0xFFFFC000  }
0x51: {  	[spmem:s3] =	stream.indirect.scatter.add.f32 [tilespmem:s22], [sflag:$0x1], $0x80, s24, s21, $0xb8;
	[tilespmem:$0x1A800] =	vst v63  }
0x52: {  	_ =	swait.ge [sflag:s19], $0x4000  }
0x53: {  	s24 =	smov.u32 s26;
	[sflag:s19] =	ssyncset.done $0x0  }
0x54: {  	s23 =	sshra.s32 s23, $0x2;
	[sflag:s19] =	ssyncadd.s32 $0xFFFFC000  }
0x55: {  	[tilespmem:s22], [sflag:$0x1] =	stream.indirect.gather [hbm4b:s0+s21], $0x80, s23, s21, $0xb8;
	[tilespmem:$0x1A800] =	vst v63  }
0x56: {  	_ =	swait.ge [sflag:s19], $0x4000  }
0x57: {  	[sflag:s19] =	ssyncset.done $0x0  }
0x58: {  	s23 =	sadd.s32 $0x1400, s23;
	[sflag:s19] =	ssyncadd.s32 $0xFFFFC000  }
0x59: {  	[spmem:s3] =	stream.indirect.scatter.add.f32 [tilespmem:s22], [sflag:$0x1], $0x80, s23, s21, $0xb8;
	[tilespmem:$0x1A800] =	vst v63  }
0x5a: {  	_ =	swait.ge [sflag:s19], $0x4000  }
0x5b: {  	[sflag:s19] =	ssyncset.done $0x0  }
0x5c: {  	s29 =	simm.s32 $0x0;
	[sflag:s19] =	ssyncadd.s32 $0xFFFFC000  }
0x5d: {  	[tilespmem:s29], [sflag:$0x1] =	stream.linear.gather [hbm4b:s13+s29], $0x1400, $0x38;
	[tilespmem:$0x1A800] =	vst v63  }
0x5e: {  	_ =	swait.ge [sflag:s19], $0x1400  }
0x5f: {  	[sflag:s19] =	ssyncset.done $0x0  }
0x60: {  	[sflag:s19] =	ssyncadd.s32 $0xFFFFEC00  }
0x61: {  	[tilespmem:s20], [sflag:$0x1] =	stream.linear.gather [hbm4b:s14+s29], $0x1400, $0x38;
	[tilespmem:$0x1A800] =	vst v63  }
0x62: {  	_ =	swait.ge [sflag:s19], $0x1400  }
0x63: {  	[sflag:s19] =	ssyncset.done $0x0  }
0x64: {  	s30 =	simm.s32 $0x0;
	[sflag:s19] =	ssyncadd.s32 $0xFFFFEC00  }
0x65: {  	[tilespmem:s22], [sflag:$0x1] =	stream.indirect.gather [hbm4b:s0+s21], $0x80, s30, s21, $0xb8;
	[tilespmem:$0x1A800] =	vst v63  }
0x66: {  	_ =	swait.ge [sflag:s19], $0x4000  }
0x67: {  	[sflag:s19] =	ssyncset.done $0x0  }
0x68: {  	s31 =	simm.s32 $0x1400;
	[sflag:s19] =	ssyncadd.s32 $0xFFFFC000  }
0x69: {  	[spmem:s3] =	stream.indirect.scatter.add.f32 [tilespmem:s22], [sflag:$0x1], $0x80, s31, s21, $0xb8;
	[tilespmem:$0x1A800] =	vst v63  }
0x6a: {  	_ =	swait.ge [sflag:s19], $0x4000  }
0x6b: {  	s24 =	simm.s32 $0x400;
	s23 =	simm.s32 $0x200;
	[sflag:s19] =	ssyncset.done $0x0  }
.LBB2_6:
0x6c: {  	s25 =	sshra.s32 s23, $0x2  }
0x6d: {  	[sflag:s19] =	ssyncadd.s32 $0xFFFFC000;
	s23 =	smov.u32 s24;
	s26 =	sadd.s32 $0x200, s24  }
0x6e: {  	[tilespmem:s22], [sflag:$0x1] =	stream.indirect.gather [hbm4b:s0+s21], $0x80, s25, s21, $0xb8;
	[tilespmem:$0x1A800] =	vst v63  }
0x6f: {  	p1 =	sne.s32 s24, $0x4E00;
	_ =	swait.ge [sflag:s19], $0x4000  }
.Ltmp2:
0x70: {  	[sflag:s19] =	ssyncset.done $0x0;
	(pc) =	sbr.rel @p1 .LBB2_6-.Ltmp2, $4  }
0x71: {  	s24 =	sadd.s32 $0x1400, s25;
	[sflag:s19] =	ssyncadd.s32 $0xFFFFC000  }
0x72: {  	[spmem:s3] =	stream.indirect.scatter.add.f32 [tilespmem:s22], [sflag:$0x1], $0x80, s24, s21, $0xb8;
	[tilespmem:$0x1A800] =	vst v63  }
0x73: {  	_ =	swait.ge [sflag:s19], $0x4000  }
0x74: {  	s24 =	smov.u32 s26;
	[sflag:s19] =	ssyncset.done $0x0  }
0x75: {  	s23 =	sshra.s32 s23, $0x2;
	[sflag:s19] =	ssyncadd.s32 $0xFFFFC000  }
0x76: {  	[tilespmem:s22], [sflag:$0x1] =	stream.indirect.gather [hbm4b:s0+s21], $0x80, s23, s21, $0xb8;
	[tilespmem:$0x1A800] =	vst v63  }
0x77: {  	_ =	swait.ge [sflag:s19], $0x4000  }
0x78: {  	[sflag:s19] =	ssyncset.done $0x0  }
0x79: {  	s23 =	sadd.s32 $0x1400, s23;
	[sflag:s19] =	ssyncadd.s32 $0xFFFFC000  }
0x7a: {  	[spmem:s3] =	stream.indirect.scatter.add.f32 [tilespmem:s22], [sflag:$0x1], $0x80, s23, s21, $0xb8;
	[tilespmem:$0x1A800] =	vst v63  }
0x7b: {  	_ =	swait.ge [sflag:s19], $0x4000  }
0x7c: {  	s31 =	sshll.u32 s2, $0x6;
	s4 =	sadd.s32 $0x1, s4;
	[sflag:s19] =	ssyncset.done $0x0  }
0x7d: {  	s24 =	sshrl.u32 s5, $0x3;
	p1 =	sne.s32 s4, s16;
	[sflag:s19] =	ssyncadd.s32 $0xFFFFC000  }
.Ltmp3:
0x7e: {  	s23 =	sor.u32 $0x1C01, s31;
	[bflag:$0x0] =	sbarrier.arrive $0xFFFF;
	(pc) =	sbr.rel @p1 .LBB2_1-.Ltmp3, $4  }
0x7f: {  	[hbm:s15], [sflag:s23] =	dma.local [spmem:s24], $0x2800  }
0x80: {  	_ =	swait.ge [sflag:s19], $0x2800  }
0x81: {  	[sflag:s19] =	ssyncset.done $0x0  }
0x82: {  	[sflag:s19] =	ssyncadd.s32 $0xFFFFD800  }
0x83: {  	_ =	sfence.sel $0x180000  }
0x84: {  	[bflag:$0x0] =	sbarrier.arrive $0xFFFF  }
0x85: {  	p0 =	sne.s32 s2, $0x0;
	_ =	strace $0x9000004A  }
0x86: {  	s0 =	sadd.s32 @!p0 $0x100000, s1;
	[bflag:$0x2] =	sbarrier.arrive $0xFFFF  }
0x87: {  	[sflag:s0] =	ssyncadd.tile.s32 @!p0 $0x1;
	_ =	shalt  }
.Lfunc_end2:
_tile_overlayer_lowered:
.L_overlay_start_2:
0x88: {  	(tag) =	ssettag $0x2  }
0x89: {  	s0 =	rddreg [dreg:$0x0];
	s2 =	stileid.u32  }
0x8a: {  	s1 =	rddreg [dreg:$0x1];
	p0 =	sne.s32 s2, $0x0  }
0x8b: {  	s3 =	rddreg [dreg:$0x2];
	[bflag:$0x3] =	sbarrier.arrive $0xFFFF;
	s2 =	simm.s32 @!p0 $0x1C01  }
0x8c: {  	[timem:s3], [sflag:s2] =	dma.local @!p0 [hbm:s0], s1  }
0x8d: {  	s0 =	simm.s32 @!p0 $0x1  }
0x8e: {  	_ =	swait.ge @!p0 [sflag:s0], s1  }
0x8f: {  	s1 =	ssub.s32 @!p0 $0x0, s1;
	[sflag:s0] =	ssyncset.done @!p0 $0x0  }
0x90: {  	[sflag:s0] =	ssyncadd.s32 @!p0 s1  }
0x91: {  	[bflag:$0x3] =	sbarrier.arrive $0xFFFF  }
0x92: {  	_ =	shalt  }

</sc_bundles>
